<compile_context>
chip_gen: v7x
topology: tpu7x:2x2x1
jax: 0.10.2.dev20260603
libtpu: 0.0.44.dev20260713+nightly
codegen_flags: <defaults>
</compile_context>

<pallas_src>
import functools

import jax
import jax.numpy as jnp
from jax import lax
from jax.experimental import pallas as pl
from jax.experimental.pallas import tpu as pltpu
from jax.experimental.pallas import tpu_sc as plsc

N = 10000
NP = 10240
E = 320000
D = 128
G = 64
NC = 2
NS = 16
NW = NC * NS
EPT = E // NW
CH = 80
NCH = EPT // CH
RPT = NP // NS

HI = NP // D
EB = 2000
NEB = E // EB

BLK = 2000
NB = N // BLK


def _sc_agg_body(x_hbm, zip_hbm, out_sum,
                 acc, sd0, sd1, sd2, rows0, rows1, rows2,
                 sem_ga, sem_gb, sem_sa, sem_sb):
    cid = lax.axis_index("c")
    sid = lax.axis_index("s")
    w = cid * NS + sid

    z16 = jnp.zeros((16,), jnp.float32)

    @pl.loop(0, CH)
    def _(i):
        for j in range(D // 16):
            rows0[i, pl.ds(j * 16, 16)] = z16

    @pl.loop(0, RPT // CH)
    def _(k):
        z = pl.multiple_of(sid * RPT + k * CH, 8)
        pltpu.async_copy(rows0, acc.at[pl.ds(z, CH)], sem_sa).wait()

    plsc.subcore_barrier()

    g0 = w * NCH
    sd = (sd0, sd1, sd2)
    rows = (rows0, rows1, rows2)
    gsem = (sem_ga, sem_gb)
    ssem = (sem_sa, sem_sb)

    def load_idx(c, cur, par):
        pltpu.async_copy(zip_hbm.at[g0 + c], sd[cur], gsem[par]).wait()

    def fire_gather(c, cur, par):
        pltpu.async_copy(x_hbm.at[sd[cur].at[0]], rows[cur], gsem[par])

    def wait_gather(c, cur, par):
        pltpu.make_async_copy(x_hbm.at[sd[cur].at[0]], rows[cur],
                              gsem[par]).wait()

    def fire_scatter(c, cur, par):
        pltpu.async_copy(rows[cur], acc.at[sd[cur].at[1]], ssem[par],
                         add=True)

    def drain_scatter(c, cur, par):
        pltpu.make_async_copy(rows[cur], acc.at[sd[cur].at[1]],
                              ssem[par]).wait()

    load_idx(0, 0, 0)
    fire_gather(0, 0, 0)

    def phase(c, p, guard_i=None):
        cur = (1 + p) % 3
        cpar = (1 + p) % 2
        prev = p % 3
        ppar = p % 2
        if guard_i is None:
            drain_scatter(c - 3, cur, ppar)
        else:
            @pl.when(guard_i > 0)
            def _():
                drain_scatter(c - 3, cur, ppar)
        load_idx(c, cur, cpar)
        fire_gather(c, cur, cpar)
        wait_gather(c - 1, prev, ppar)
        fire_scatter(c - 1, prev, ppar)

    @pl.loop(0, (NCH - 5) // 6)
    def _(i):
        for p in range(6):
            phase(6 * i + 1 + p, p, i if p < 2 else None)

    for p in range(4):
        phase(121 + p, p)
    wait_gather(124, 1, 0)
    fire_scatter(124, 1, 0)
    drain_scatter(122, 2, 0)
    drain_scatter(123, 0, 1)
    drain_scatter(124, 1, 0)

    plsc.subcore_barrier()

    r0 = pl.multiple_of(sid * RPT, 8)
    pltpu.async_copy(acc.at[pl.ds(r0, RPT)],
                     out_sum.at[cid, pl.ds(r0, RPT)], sem_sa).wait()


_sc_agg = functools.partial(
    pl.kernel,
    out_type=jax.ShapeDtypeStruct((NC, NP, D), jnp.float32),
    mesh=plsc.VectorSubcoreMesh(core_axis_name="c", subcore_axis_name="s"),
    scratch_types=[
        pltpu.VMEM_SHARED((NP, D), jnp.float32),
        pltpu.VMEM((2, CH), jnp.int32),
        pltpu.VMEM((2, CH), jnp.int32),
        pltpu.VMEM((2, CH), jnp.int32),
        pltpu.VMEM((CH, D), jnp.float32),
        pltpu.VMEM((CH, D), jnp.float32),
        pltpu.VMEM((CH, D), jnp.float32),
    ] + [pltpu.SemaphoreType.DMA] * 4,
)(_sc_agg_body)


def _cnt_body(dst_ref, cnt_ref):
    i = pl.program_id(0)

    @pl.when(i == 0)
    def _():
        cnt_ref[...] = jnp.zeros_like(cnt_ref)

    d = dst_ref[...]
    hi = d // D
    lo = d - hi * D
    ahi = (hi == lax.broadcasted_iota(jnp.int32, (EB, HI), 1)
           ).astype(jnp.bfloat16)
    alo = (lo == lax.broadcasted_iota(jnp.int32, (EB, D), 1)
           ).astype(jnp.bfloat16)
    cnt_ref[...] += lax.dot_general(
        ahi, alo, (((0,), (0,)), ((), ())),
        preferred_element_type=jnp.float32)


def _tc_cnt(dst2):
    return pl.pallas_call(
        _cnt_body,
        grid=(NEB,),
        in_specs=[pl.BlockSpec((EB, 1), lambda i: (i, 0))],
        out_specs=pl.BlockSpec((HI, D), lambda i: (0, 0)),
        out_shape=jax.ShapeDtypeStruct((HI, D), jnp.float32),
    )(dst2)


def _tc_body(sum_ref, cnt_ref, x_ref, bvec_ref, bsmem_ref,
             wlT_ref, wrT_ref, bl_ref, wlinT_ref, blin_ref,
             out_ref, acc_ref):
    i = pl.program_id(0)

    @pl.when(i == 0)
    def _():
        acc_ref[...] = jnp.zeros_like(acc_ref)

    summed = sum_ref[0] + sum_ref[1]
    cnt = cnt_ref[...]
    mean = summed / jnp.maximum(cnt, 1.0)
    h = (jnp.dot(mean, wlT_ref[...], preferred_element_type=jnp.float32)
         + jnp.dot(x_ref[...], wrT_ref[...], preferred_element_type=jnp.float32)
         + bl_ref[...])
    h = jnp.maximum(h, 0.0)

    bvec = bvec_ref[...]
    g0 = bsmem_ref[i * BLK]
    g1 = bsmem_ref[i * BLK + BLK - 1]
    rows_iota = lax.broadcasted_iota(jnp.int32, (G, 1), 0)

    def pool_body(g, c):
        m = bvec == g
        contrib = jnp.max(jnp.where(m, h, 0.0), axis=0, keepdims=True)
        upd = jnp.where(rows_iota == g, contrib, 0.0)
        acc_ref[...] = jnp.maximum(acc_ref[...], upd)
        return c
    lax.fori_loop(g0, g1 + 1, pool_body, 0)

    @pl.when(i == NB - 1)
    def _():
        out_ref[...] = (
            jnp.dot(acc_ref[...], wlinT_ref[...],
                    preferred_element_type=jnp.float32)
            + blin_ref[...])


def _tc_finish(parts_sum, cnt, x, bvec, batch, wlT, wrT, bl2,
               wlinT, blin2):
    return pl.pallas_call(
        _tc_body,
        grid=(NB,),
        in_specs=[
            pl.BlockSpec((NC, BLK, D), lambda i: (0, i, 0)),
            pl.BlockSpec((BLK, 1), lambda i: (i, 0)),
            pl.BlockSpec((BLK, D), lambda i: (i, 0)),
            pl.BlockSpec((BLK, 1), lambda i: (i, 0)),
            pl.BlockSpec(memory_space=pltpu.SMEM),
            pl.BlockSpec((D, D), lambda i: (0, 0)),
            pl.BlockSpec((D, D), lambda i: (0, 0)),
            pl.BlockSpec((1, D), lambda i: (0, 0)),
            pl.BlockSpec((D, 2), lambda i: (0, 0)),
            pl.BlockSpec((1, 2), lambda i: (0, 0)),
        ],
        out_specs=pl.BlockSpec((G, 2), lambda i: (0, 0)),
        out_shape=jax.ShapeDtypeStruct((G, 2), jnp.float32),
        scratch_shapes=[pltpu.VMEM((G, D), jnp.float32)],
    )(parts_sum, cnt, x, bvec, batch, wlT, wrT, bl2, wlinT, blin2)


def kernel(x, edge_index, batch, Wl, bl, Wr, Wlin, blin):
    dst = edge_index[1]
    ezip = jnp.stack([edge_index[0].reshape(NW * NCH, CH),
                      dst.reshape(NW * NCH, CH)], axis=1)
    parts_sum = _sc_agg(x, ezip)
    cnt2d = _tc_cnt(dst.reshape(E, 1))
    cnt = cnt2d.reshape(NP)[:N].reshape(N, 1)
    return _tc_finish(parts_sum, cnt, x, batch.reshape(N, 1), batch,
                      Wl.T, Wr.T, bl.reshape(1, D), Wlin.T,
                      blin.reshape(1, 2))

# --- scband reference (transcript-rebuilt; emitter-appended) ---
"""Pipeline reference for scband-gnnfake-news-37520834298467 (READ-ONLY COPY).

The authoritative reference and input builder live on the scoring server;
editing this copy changes nothing except your own understanding.
"""

import jax, jax.numpy as jnp
import numpy as np

N = 10000
E = 320000
D_IN = 128
D_H = 128
D_OUT = 2
G = 64


def setup_inputs(seed: int = 0) -> dict:
    key = jax.random.key(seed)
    ks = jax.random.split(key, 9)
    x = jax.random.normal(ks[0], (N, D_IN), dtype=jnp.float32)
    edge_index = jax.random.randint(ks[1], (2, E), 0, N, dtype=jnp.int32)
    batch = jnp.sort(jax.random.randint(ks[2], (N,), 0, G, dtype=jnp.int32))
    # SAGEConv params: lin_l (applied to aggregated neighbors, has bias), lin_r (root, no bias)
    s_in = 1.0 / np.sqrt(D_IN)
    Wl = jax.random.uniform(ks[3], (D_H, D_IN), dtype=jnp.float32, minval=-s_in, maxval=s_in)
    bl = jax.random.uniform(ks[4], (D_H,), dtype=jnp.float32, minval=-s_in, maxval=s_in)
    Wr = jax.random.uniform(ks[5], (D_H, D_IN), dtype=jnp.float32, minval=-s_in, maxval=s_in)
    s_h = 1.0 / np.sqrt(D_H)
    Wlin = jax.random.uniform(ks[6], (D_OUT, D_H), dtype=jnp.float32, minval=-s_h, maxval=s_h)
    blin = jax.random.uniform(ks[7], (D_OUT,), dtype=jnp.float32, minval=-s_h, maxval=s_h)
    return {"x": x, "edge_index": edge_index, "batch": batch,
            "Wl": Wl, "bl": bl, "Wr": Wr, "Wlin": Wlin, "blin": blin}


def reference(x, edge_index, batch, Wl, bl, Wr, Wlin, blin):
    src = edge_index[0]
    dst = edge_index[1]
    # SAGEConv (mean aggregation): gather source features, mean-scatter to dst
    msg = jnp.take(x, src, axis=0)
    summed = jax.ops.segment_sum(msg, dst, num_segments=N)
    cnt = jax.ops.segment_sum(jnp.ones((E,), dtype=x.dtype), dst, num_segments=N)
    mean = summed / jnp.maximum(cnt, 1.0)[:, None]
    h = mean @ Wl.T + bl + x @ Wr.T
    h = jax.nn.relu(h)
    # global_max_pool over graphs; relu output >= 0 so clamping empty (-inf) segments to 0 is safe
    pooled = jnp.maximum(jax.ops.segment_max(h, batch, num_segments=G), 0.0)
    out = pooled @ Wlin.T + blin
    return out

if __name__ == "__main__":
    import jax
    _d = setup_inputs()
    print(jax.jit(kernel)(*tuple(_d.values())))

</pallas_src>

<mosaic_0001>
#map = affine_map<(d0, d1) -> (0, 0)>
#map1 = affine_map<(d0, d1) -> (0, 0, 0)>
module attributes {stable_mosaic.version = 14 : i64} {
  func.func @_sc_agg_body(%arg0: i32, %arg1: i32, %arg2: memref<10000x128xf32, #tpu.memory_space<hbm>>, %arg3: memref<4000x2x80xi32, #tpu.memory_space<hbm>>, %arg4: memref<2x10240x128xf32, #tpu.memory_space<hbm>>, %arg5: memref<10240x128xf32, #tpu.memory_space<vmem_shared>>, %arg6: memref<2x80xi32, #tpu.memory_space<vmem>>, %arg7: memref<2x80xi32, #tpu.memory_space<vmem>>, %arg8: memref<2x80xi32, #tpu.memory_space<vmem>>, %arg9: memref<80x128xf32, #tpu.memory_space<vmem>>, %arg10: memref<80x128xf32, #tpu.memory_space<vmem>>, %arg11: memref<80x128xf32, #tpu.memory_space<vmem>>, %arg12: memref<!tpu.dma_semaphore, #tpu.memory_space<semaphore_mem>>, %arg13: memref<!tpu.dma_semaphore, #tpu.memory_space<semaphore_mem>>, %arg14: memref<!tpu.dma_semaphore, #tpu.memory_space<semaphore_mem>>, %arg15: memref<!tpu.dma_semaphore, #tpu.memory_space<semaphore_mem>>) attributes {dimension_semantics = [#tpu.dimension_semantics<core_parallel>, #tpu.dimension_semantics<subcore_parallel>], iteration_bounds = array<i64: 2, 16>, scalar_prefetch = 0 : i64, scratch_operands = 11 : i64, tpu.core_type = #tpu.core_type<sc_vector_subcore>, window_params = [{transform_indices = #map}, {transform_indices = #map1}, {transform_indices = #map1}]} {
    %mul3A = arith.constant 16 : i32
    %mul3A_0 = arith.muli %arg0, %mul3A : i32
    %add3A = arith.addi %mul3A_0, %arg1 : i32
    %broadcast_in_dim3A = arith.constant 0.000000e+00 : f32
    %broadcast_in_dim3A_1 = vector.broadcast %broadcast_in_dim3A : f32 to vector<16xf32>
    %scan3A = arith.constant 0 : i32
    %scan3A_2 = arith.constant 80 : i32
    %scan3A_3 = arith.addi %scan3A, %scan3A_2 : i32
    %scan3A_4 = arith.constant 1 : i32
    scf.for %scan3A_273 = %scan3A to %scan3A_3 step %scan3A_4  : i32 {
      %mul3A_274 = arith.constant 1 : i32
      %mul3A_275 = arith.muli %scan3A_273, %mul3A_274 : i32
      %add3A_276 = arith.constant 0 : i32
      %add3A_277 = arith.addi %add3A_276, %mul3A_275 : i32
      %swap3A = arith.index_cast %add3A_277 : i32 to index
      %swap3A_278 = arith.constant 0 : index
      %swap3A_279 = tpu.vector_load %arg9[%swap3A, %swap3A_278] {strides = array<i32>} : memref<80x128xf32, #tpu.memory_space<vmem>>, vector<1x16xf32>,
      %swap3A_280 = vector.shape_cast %swap3A_279 : vector<1x16xf32> to vector<16xf32>
      %swap3A_281 = vector.shape_cast %broadcast_in_dim3A_1 : vector<16xf32> to vector<1x16xf32>
      tpu.vector_store %arg9[%swap3A, %swap3A_278], %swap3A_281 {strides = array<i32>} : memref<80x128xf32, #tpu.memory_space<vmem>>, vector<1x16xf32>,
      %swap3A_282 = arith.index_cast %add3A_277 : i32 to index
      %swap3A_283 = arith.constant 16 : index
      %swap3A_284 = tpu.vector_load %arg9[%swap3A_282, %swap3A_283] {strides = array<i32>} : memref<80x128xf32, #tpu.memory_space<vmem>>, vector<1x16xf32>,
      %swap3A_285 = vector.shape_cast %swap3A_284 : vector<1x16xf32> to vector<16xf32>
      %swap3A_286 = vector.shape_cast %broadcast_in_dim3A_1 : vector<16xf32> to vector<1x16xf32>
      tpu.vector_store %arg9[%swap3A_282, %swap3A_283], %swap3A_286 {strides = array<i32>} : memref<80x128xf32, #tpu.memory_space<vmem>>, vector<1x16xf32>,
      %swap3A_287 = arith.index_cast %add3A_277 : i32 to index
      %swap3A_288 = arith.constant 32 : index
      %swap3A_289 = tpu.vector_load %arg9[%swap3A_287, %swap3A_288] {strides = array<i32>} : memref<80x128xf32, #tpu.memory_space<vmem>>, vector<1x16xf32>,
      %swap3A_290 = vector.shape_cast %swap3A_289 : vector<1x16xf32> to vector<16xf32>
      %swap3A_291 = vector.shape_cast %broadcast_in_dim3A_1 : vector<16xf32> to vector<1x16xf32>
      tpu.vector_store %arg9[%swap3A_287, %swap3A_288], %swap3A_291 {strides = array<i32>} : memref<80x128xf32, #tpu.memory_space<vmem>>, vector<1x16xf32>,
      %swap3A_292 = arith.index_cast %add3A_277 : i32 to index
      %swap3A_293 = arith.constant 48 : index
      %swap3A_294 = tpu.vector_load %arg9[%swap3A_292, %swap3A_293] {strides = array<i32>} : memref<80x128xf32, #tpu.memory_space<vmem>>, vector<1x16xf32>,
      %swap3A_295 = vector.shape_cast %swap3A_294 : vector<1x16xf32> to vector<16xf32>
      %swap3A_296 = vector.shape_cast %broadcast_in_dim3A_1 : vector<16xf32> to vector<1x16xf32>
      tpu.vector_store %arg9[%swap3A_292, %swap3A_293], %swap3A_296 {strides = array<i32>} : memref<80x128xf32, #tpu.memory_space<vmem>>, vector<1x16xf32>,
      %swap3A_297 = arith.index_cast %add3A_277 : i32 to index
      %swap3A_298 = arith.constant 64 : index
      %swap3A_299 = tpu.vector_load %arg9[%swap3A_297, %swap3A_298] {strides = array<i32>} : memref<80x128xf32, #tpu.memory_space<vmem>>, vector<1x16xf32>,
      %swap3A_300 = vector.shape_cast %swap3A_299 : vector<1x16xf32> to vector<16xf32>
      %swap3A_301 = vector.shape_cast %broadcast_in_dim3A_1 : vector<16xf32> to vector<1x16xf32>
      tpu.vector_store %arg9[%swap3A_297, %swap3A_298], %swap3A_301 {strides = array<i32>} : memref<80x128xf32, #tpu.memory_space<vmem>>, vector<1x16xf32>,
      %swap3A_302 = arith.index_cast %add3A_277 : i32 to index
      %swap3A_303 = arith.constant 80 : index
      %swap3A_304 = tpu.vector_load %arg9[%swap3A_302, %swap3A_303] {strides = array<i32>} : memref<80x128xf32, #tpu.memory_space<vmem>>, vector<1x16xf32>,
      %swap3A_305 = vector.shape_cast %swap3A_304 : vector<1x16xf32> to vector<16xf32>
      %swap3A_306 = vector.shape_cast %broadcast_in_dim3A_1 : vector<16xf32> to vector<1x16xf32>
      tpu.vector_store %arg9[%swap3A_302, %swap3A_303], %swap3A_306 {strides = array<i32>} : memref<80x128xf32, #tpu.memory_space<vmem>>, vector<1x16xf32>,
      %swap3A_307 = arith.index_cast %add3A_277 : i32 to index
      %swap3A_308 = arith.constant 96 : index
      %swap3A_309 = tpu.vector_load %arg9[%swap3A_307, %swap3A_308] {strides = array<i32>} : memref<80x128xf32, #tpu.memory_space<vmem>>, vector<1x16xf32>,
      %swap3A_310 = vector.shape_cast %swap3A_309 : vector<1x16xf32> to vector<16xf32>
      %swap3A_311 = vector.shape_cast %broadcast_in_dim3A_1 : vector<16xf32> to vector<1x16xf32>
      tpu.vector_store %arg9[%swap3A_307, %swap3A_308], %swap3A_311 {strides = array<i32>} : memref<80x128xf32, #tpu.memory_space<vmem>>, vector<1x16xf32>,
      %swap3A_312 = arith.index_cast %add3A_277 : i32 to index
      %swap3A_313 = arith.constant 112 : index
      %swap3A_314 = tpu.vector_load %arg9[%swap3A_312, %swap3A_313] {strides = array<i32>} : memref<80x128xf32, #tpu.memory_space<vmem>>, vector<1x16xf32>,
      %swap3A_315 = vector.shape_cast %swap3A_314 : vector<1x16xf32> to vector<16xf32>
      %swap3A_316 = vector.shape_cast %broadcast_in_dim3A_1 : vector<16xf32> to vector<1x16xf32>
      tpu.vector_store %arg9[%swap3A_312, %swap3A_313], %swap3A_316 {strides = array<i32>} : memref<80x128xf32, #tpu.memory_space<vmem>>, vector<1x16xf32>,
    }
    %scan3A_5 = arith.constant 80 : i32
    %scan3A_6 = arith.constant 0 : i32
    %scan3A_7 = arith.constant 8 : i32
    %scan3A_8 = arith.addi %scan3A_6, %scan3A_7 : i32
    %scan3A_9 = arith.constant 1 : i32
    scf.for %scan3A_273 = %scan3A_6 to %scan3A_8 step %scan3A_9  : i32 {
      %mul3A_274 = arith.constant 1 : i32
      %mul3A_275 = arith.muli %scan3A_273, %mul3A_274 : i32
      %add3A_276 = arith.constant 0 : i32
      %add3A_277 = arith.addi %add3A_276, %mul3A_275 : i32
      %mul3A_278 = arith.constant 640 : i32
      %mul3A_279 = arith.muli %arg1, %mul3A_278 : i32
      %mul3A_280 = arith.constant 80 : i32
      %mul3A_281 = arith.muli %add3A_277, %mul3A_280 : i32
      %add3A_282 = arith.addi %mul3A_279, %mul3A_281 : i32
      %multiple_of3A_283 = tpu.assume_multiple %add3A_282, 8 : i32
      %dma_start3A_284 = arith.constant 0 : i32
      %dma_start3A_285 = tpu.memref_slice %arg5[%multiple_of3A_283, %dma_start3A_284] : memref<10240x128xf32, #tpu.memory_space<vmem_shared>> -> memref<80x128xf32, #tpu.memory_space<vmem_shared>>
      %dma_start3A_286 = arith.constant 0 : i32
      %dma_start3A_287 = tpu.memref_slice %arg5[%multiple_of3A_283, %dma_start3A_286] : memref<10240x128xf32, #tpu.memory_space<vmem_shared>> -> memref<80x128xf32, #tpu.memory_space<vmem_shared>>
      tpu.enqueue_dma source(%arg9 : memref<80x128xf32, #tpu.memory_space<vmem>>) target(%dma_start3A_287 : memref<80x128xf32, #tpu.memory_space<vmem_shared>>) target_semaphore(%arg14 : memref<!tpu.dma_semaphore, #tpu.memory_space<semaphore_mem>>)
      %dma_wait3A_288 = arith.constant 0 : i32
      %dma_wait3A_289 = tpu.memref_slice %arg5[%multiple_of3A_283, %dma_wait3A_288] : memref<10240x128xf32, #tpu.memory_space<vmem_shared>> -> memref<80x128xf32, #tpu.memory_space<vmem_shared>>
      %dma_wait3A_290 = arith.constant 0 : i32
      %dma_wait3A_291 = tpu.memref_slice %arg5[%multiple_of3A_283, %dma_wait3A_290] : memref<10240x128xf32, #tpu.memory_space<vmem_shared>> -> memref<80x128xf32, #tpu.memory_space<vmem_shared>>
      tpu.wait_dma2 semaphore(%arg14 : memref<!tpu.dma_semaphore, #tpu.memory_space<semaphore_mem>>) src(%arg9 : memref<80x128xf32, #tpu.memory_space<vmem>>) dst(%dma_wait3A_291 : memref<80x128xf32, #tpu.memory_space<vmem_shared>>)
    }
    %scan3A_10 = arith.constant 8 : i32
    %barrier3A = arith.constant 0 : index
    tpu.barrier barrier_id(%barrier3A)
    %mul3A_11 = arith.constant 125 : i32
    %mul3A_12 = arith.muli %add3A, %mul3A_11 : i32
    %add3A_13 = arith.constant 0 : i32
    %add3A_14 = arith.addi %mul3A_12, %add3A_13 : i32
    %dma_start3A = arith.constant 0 : i32
    %dma_start3A_15 = arith.constant 0 : i32
    %dma_start3A_16 = tpu.memref_slice %arg3[%add3A_14, %dma_start3A, %dma_start3A_15] : memref<4000x2x80xi32, #tpu.memory_space<hbm>> -> memref<1x2x80xi32, #tpu.memory_space<hbm>>
    %dma_start3A_17 = tpu.memref_squeeze %dma_start3A_16 : memref<1x2x80xi32, #tpu.memory_space<hbm>> -> memref<2x80xi32, #tpu.memory_space<hbm>>
    %dma_start3A_18 = arith.constant 0 : i32
    %dma_start3A_19 = arith.constant 0 : i32
    %dma_start3A_20 = tpu.memref_slice %arg3[%add3A_14, %dma_start3A_18, %dma_start3A_19] : memref<4000x2x80xi32, #tpu.memory_space<hbm>> -> memref<1x2x80xi32, #tpu.memory_space<hbm>>
    %dma_start3A_21 = tpu.memref_squeeze %dma_start3A_20 : memref<1x2x80xi32, #tpu.memory_space<hbm>> -> memref<2x80xi32, #tpu.memory_space<hbm>>
    tpu.enqueue_dma source(%dma_start3A_21 : memref<2x80xi32, #tpu.memory_space<hbm>>) target(%arg6 : memref<2x80xi32, #tpu.memory_space<vmem>>) target_semaphore(%arg12 : memref<!tpu.dma_semaphore, #tpu.memory_space<semaphore_mem>>)
    %dma_wait3A = arith.constant 0 : i32
    %dma_wait3A_22 = arith.constant 0 : i32
    %dma_wait3A_23 = tpu.memref_slice %arg3[%add3A_14, %dma_wait3A, %dma_wait3A_22] : memref<4000x2x80xi32, #tpu.memory_space<hbm>> -> memref<1x2x80xi32, #tpu.memory_space<hbm>>
    %dma_wait3A_24 = tpu.memref_squeeze %dma_wait3A_23 : memref<1x2x80xi32, #tpu.memory_space<hbm>> -> memref<2x80xi32, #tpu.memory_space<hbm>>
    %dma_wait3A_25 = arith.constant 0 : i32
    %dma_wait3A_26 = arith.constant 0 : i32
    %dma_wait3A_27 = tpu.memref_slice %arg3[%add3A_14, %dma_wait3A_25, %dma_wait3A_26] : memref<4000x2x80xi32, #tpu.memory_space<hbm>> -> memref<1x2x80xi32, #tpu.memory_space<hbm>>
    %dma_wait3A_28 = tpu.memref_squeeze %dma_wait3A_27 : memref<1x2x80xi32, #tpu.memory_space<hbm>> -> memref<2x80xi32, #tpu.memory_space<hbm>>
    tpu.wait_dma2 semaphore(%arg12 : memref<!tpu.dma_semaphore, #tpu.memory_space<semaphore_mem>>) src(%dma_wait3A_28 : memref<2x80xi32, #tpu.memory_space<hbm>>) dst(%arg6 : memref<2x80xi32, #tpu.memory_space<vmem>>)
    %dma_start3A_29 = arith.constant 0 : i32
    %dma_start3A_30 = arith.constant 0 : i32
    %dma_start3A_31 = tpu.memref_slice %arg6[%dma_start3A_29, %dma_start3A_30] : memref<2x80xi32, #tpu.memory_space<vmem>> -> memref<1x80xi32, #tpu.memory_space<vmem>>
    %dma_start3A_32 = tpu.memref_squeeze %dma_start3A_31 : memref<1x80xi32, #tpu.memory_space<vmem>> -> memref<80xi32, #tpu.memory_space<vmem>>
    %dma_start3A_33 = arith.constant 0 : i32
    %dma_start3A_34 = arith.constant 0 : i32
    %dma_start3A_35 = tpu.memref_slice %arg2[%dma_start3A_33, %dma_start3A_34] : memref<10000x128xf32, #tpu.memory_space<hbm>> -> memref<10000x128xf32, #tpu.memory_space<hbm>>
    tpu.enqueue_indirect_dma source(%dma_start3A_35 : memref<10000x128xf32, #tpu.memory_space<hbm>>) target(%arg9 : memref<80x128xf32, #tpu.memory_space<vmem>>) offsets(%dma_start3A_32 : memref<80xi32, #tpu.memory_space<vmem>>) semaphore(%arg12 : memref<!tpu.dma_semaphore, #tpu.memory_space<semaphore_mem>>)
    %scan3A_36 = arith.constant 0 : i32
    %scan3A_37 = arith.constant 20 : i32
    %scan3A_38 = arith.addi %scan3A_36, %scan3A_37 : i32
    %scan3A_39 = arith.constant 1 : i32
    scf.for %scan3A_273 = %scan3A_36 to %scan3A_38 step %scan3A_39  : i32 {
      %mul3A_274 = arith.constant 1 : i32
      %mul3A_275 = arith.muli %scan3A_273, %mul3A_274 : i32
      %add3A_276 = arith.constant 0 : i32
      %add3A_277 = arith.addi %add3A_276, %mul3A_275 : i32
      %mul3A_278 = arith.constant 6 : i32
      %mul3A_279 = arith.muli %mul3A_278, %add3A_277 : i32
      %add3A_280 = arith.constant 1 : i32
      %add3A_281 = arith.addi %mul3A_279, %add3A_280 : i32
      %add3A_282 = arith.constant 0 : i32
      %add3A_283 = arith.addi %add3A_281, %add3A_282 : i32
      %gt3A = arith.constant 0 : i32
      %gt3A_284 = arith.cmpi sgt, %add3A_277, %gt3A : i32
      %convert_element_type3A = arith.extui %gt3A_284 : i1 to i32
      %cond3A = arith.constant 0 : i32
      %cond3A_285 = arith.cmpi ne, %convert_element_type3A, %cond3A : i32
      scf.if %cond3A_285 {
        %sub3A_608 = arith.constant 3 : i32
        %sub3A_609 = arith.subi %add3A_283, %sub3A_608 : i32
        %dma_wait3A_610 = arith.constant 1 : i32
        %dma_wait3A_611 = arith.constant 0 : i32
        %dma_wait3A_612 = tpu.memref_slice %arg7[%dma_wait3A_610, %dma_wait3A_611] : memref<2x80xi32, #tpu.memory_space<vmem>> -> memref<1x80xi32, #tpu.memory_space<vmem>>
        %dma_wait3A_613 = tpu.memref_squeeze %dma_wait3A_612 : memref<1x80xi32, #tpu.memory_space<vmem>> -> memref<80xi32, #tpu.memory_space<vmem>>
        %dma_wait3A_614 = arith.constant 0 : i32
        %dma_wait3A_615 = arith.constant 0 : i32
        %dma_wait3A_616 = tpu.memref_slice %arg5[%dma_wait3A_614, %dma_wait3A_615] : memref<10240x128xf32, #tpu.memory_space<vmem_shared>> -> memref<10240x128xf32, #tpu.memory_space<vmem_shared>>
        tpu.wait_indirect_dma semaphore(%arg14 : memref<!tpu.dma_semaphore, #tpu.memory_space<semaphore_mem>>) src(%arg10 : memref<80x128xf32, #tpu.memory_space<vmem>>) dst(%dma_wait3A_616 : memref<10240x128xf32, #tpu.memory_space<vmem_shared>>)
      } else {
      }
      %add3A_286 = arith.addi %mul3A_12, %add3A_283 : i32
      %dma_start3A_287 = arith.constant 0 : i32
      %dma_start3A_288 = arith.constant 0 : i32
      %dma_start3A_289 = tpu.memref_slice %arg3[%add3A_286, %dma_start3A_287, %dma_start3A_288] : memref<4000x2x80xi32, #tpu.memory_space<hbm>> -> memref<1x2x80xi32, #tpu.memory_space<hbm>>
      %dma_start3A_290 = tpu.memref_squeeze %dma_start3A_289 : memref<1x2x80xi32, #tpu.memory_space<hbm>> -> memref<2x80xi32, #tpu.memory_space<hbm>>
      %dma_start3A_291 = arith.constant 0 : i32
      %dma_start3A_292 = arith.constant 0 : i32
      %dma_start3A_293 = tpu.memref_slice %arg3[%add3A_286, %dma_start3A_291, %dma_start3A_292] : memref<4000x2x80xi32, #tpu.memory_space<hbm>> -> memref<1x2x80xi32, #tpu.memory_space<hbm>>
      %dma_start3A_294 = tpu.memref_squeeze %dma_start3A_293 : memref<1x2x80xi32, #tpu.memory_space<hbm>> -> memref<2x80xi32, #tpu.memory_space<hbm>>
      tpu.enqueue_dma source(%dma_start3A_294 : memref<2x80xi32, #tpu.memory_space<hbm>>) target(%arg7 : memref<2x80xi32, #tpu.memory_space<vmem>>) target_semaphore(%arg13 : memref<!tpu.dma_semaphore, #tpu.memory_space<semaphore_mem>>)
      %dma_wait3A_295 = arith.constant 0 : i32
      %dma_wait3A_296 = arith.constant 0 : i32
      %dma_wait3A_297 = tpu.memref_slice %arg3[%add3A_286, %dma_wait3A_295, %dma_wait3A_296] : memref<4000x2x80xi32, #tpu.memory_space<hbm>> -> memref<1x2x80xi32, #tpu.memory_space<hbm>>
      %dma_wait3A_298 = tpu.memref_squeeze %dma_wait3A_297 : memref<1x2x80xi32, #tpu.memory_space<hbm>> -> memref<2x80xi32, #tpu.memory_space<hbm>>
      %dma_wait3A_299 = arith.constant 0 : i32
      %dma_wait3A_300 = arith.constant 0 : i32
      %dma_wait3A_301 = tpu.memref_slice %arg3[%add3A_286, %dma_wait3A_299, %dma_wait3A_300] : memref<4000x2x80xi32, #tpu.memory_space<hbm>> -> memref<1x2x80xi32, #tpu.memory_space<hbm>>
      %dma_wait3A_302 = tpu.memref_squeeze %dma_wait3A_301 : memref<1x2x80xi32, #tpu.memory_space<hbm>> -> memref<2x80xi32, #tpu.memory_space<hbm>>
      tpu.wait_dma2 semaphore(%arg13 : memref<!tpu.dma_semaphore, #tpu.memory_space<semaphore_mem>>) src(%dma_wait3A_302 : memref<2x80xi32, #tpu.memory_space<hbm>>) dst(%arg7 : memref<2x80xi32, #tpu.memory_space<vmem>>)
      %dma_start3A_303 = arith.constant 0 : i32
      %dma_start3A_304 = arith.constant 0 : i32
      %dma_start3A_305 = tpu.memref_slice %arg7[%dma_start3A_303, %dma_start3A_304] : memref<2x80xi32, #tpu.memory_space<vmem>> -> memref<1x80xi32, #tpu.memory_space<vmem>>
      %dma_start3A_306 = tpu.memref_squeeze %dma_start3A_305 : memref<1x80xi32, #tpu.memory_space<vmem>> -> memref<80xi32, #tpu.memory_space<vmem>>
      %dma_start3A_307 = arith.constant 0 : i32
      %dma_start3A_308 = arith.constant 0 : i32
      %dma_start3A_309 = tpu.memref_slice %arg2[%dma_start3A_307, %dma_start3A_308] : memref<10000x128xf32, #tpu.memory_space<hbm>> -> memref<10000x128xf32, #tpu.memory_space<hbm>>
      tpu.enqueue_indirect_dma source(%dma_start3A_309 : memref<10000x128xf32, #tpu.memory_space<hbm>>) target(%arg10 : memref<80x128xf32, #tpu.memory_space<vmem>>) offsets(%dma_start3A_306 : memref<80xi32, #tpu.memory_space<vmem>>) semaphore(%arg13 : memref<!tpu.dma_semaphore, #tpu.memory_space<semaphore_mem>>)
      %sub3A = arith.constant 1 : i32
      %sub3A_310 = arith.subi %add3A_283, %sub3A : i32
      %dma_wait3A_311 = arith.constant 0 : i32
      %dma_wait3A_312 = arith.constant 0 : i32
      %dma_wait3A_313 = tpu.memref_slice %arg6[%dma_wait3A_311, %dma_wait3A_312] : memref<2x80xi32, #tpu.memory_space<vmem>> -> memref<1x80xi32, #tpu.memory_space<vmem>>
      %dma_wait3A_314 = tpu.memref_squeeze %dma_wait3A_313 : memref<1x80xi32, #tpu.memory_space<vmem>> -> memref<80xi32, #tpu.memory_space<vmem>>
      %dma_wait3A_315 = arith.constant 0 : i32
      %dma_wait3A_316 = arith.constant 0 : i32
      %dma_wait3A_317 = tpu.memref_slice %arg2[%dma_wait3A_315, %dma_wait3A_316] : memref<10000x128xf32, #tpu.memory_space<hbm>> -> memref<10000x128xf32, #tpu.memory_space<hbm>>
      tpu.wait_indirect_dma semaphore(%arg12 : memref<!tpu.dma_semaphore, #tpu.memory_space<semaphore_mem>>) src(%dma_wait3A_317 : memref<10000x128xf32, #tpu.memory_space<hbm>>) dst(%arg9 : memref<80x128xf32, #tpu.memory_space<vmem>>)
      %sub3A_318 = arith.constant 1 : i32
      %sub3A_319 = arith.subi %add3A_283, %sub3A_318 : i32
      %dma_start3A_320 = arith.constant 1 : i32
      %dma_start3A_321 = arith.constant 0 : i32
      %dma_start3A_322 = tpu.memref_slice %arg6[%dma_start3A_320, %dma_start3A_321] : memref<2x80xi32, #tpu.memory_space<vmem>> -> memref<1x80xi32, #tpu.memory_space<vmem>>
      %dma_start3A_323 = tpu.memref_squeeze %dma_start3A_322 : memref<1x80xi32, #tpu.memory_space<vmem>> -> memref<80xi32, #tpu.memory_space<vmem>>
      %dma_start3A_324 = arith.constant 0 : i32
      %dma_start3A_325 = arith.constant 0 : i32
      %dma_start3A_326 = tpu.memref_slice %arg5[%dma_start3A_324, %dma_start3A_325] : memref<10240x128xf32, #tpu.memory_space<vmem_shared>> -> memref<10240x128xf32, #tpu.memory_space<vmem_shared>>
      tpu.enqueue_indirect_dma source(%arg9 : memref<80x128xf32, #tpu.memory_space<vmem>>) target(%dma_start3A_326 : memref<10240x128xf32, #tpu.memory_space<vmem_shared>>) offsets(%dma_start3A_323 : memref<80xi32, #tpu.memory_space<vmem>>) semaphore(%arg14 : memref<!tpu.dma_semaphore, #tpu.memory_space<semaphore_mem>>) {add = true}
      %mul3A_327 = arith.constant 6 : i32
      %mul3A_328 = arith.muli %mul3A_327, %add3A_277 : i32
      %add3A_329 = arith.constant 1 : i32
      %add3A_330 = arith.addi %mul3A_328, %add3A_329 : i32
      %add3A_331 = arith.constant 1 : i32
      %add3A_332 = arith.addi %add3A_330, %add3A_331 : i32
      %gt3A_333 = arith.constant 0 : i32
      %gt3A_334 = arith.cmpi sgt, %add3A_277, %gt3A_333 : i32
      %convert_element_type3A_335 = arith.extui %gt3A_334 : i1 to i32
      %cond3A_336 = arith.constant 0 : i32
      %cond3A_337 = arith.cmpi ne, %convert_element_type3A_335, %cond3A_336 : i32
      scf.if %cond3A_337 {
        %sub3A_608 = arith.constant 3 : i32
        %sub3A_609 = arith.subi %add3A_332, %sub3A_608 : i32
        %dma_wait3A_610 = arith.constant 1 : i32
        %dma_wait3A_611 = arith.constant 0 : i32
        %dma_wait3A_612 = tpu.memref_slice %arg8[%dma_wait3A_610, %dma_wait3A_611] : memref<2x80xi32, #tpu.memory_space<vmem>> -> memref<1x80xi32, #tpu.memory_space<vmem>>
        %dma_wait3A_613 = tpu.memref_squeeze %dma_wait3A_612 : memref<1x80xi32, #tpu.memory_space<vmem>> -> memref<80xi32, #tpu.memory_space<vmem>>
        %dma_wait3A_614 = arith.constant 0 : i32
        %dma_wait3A_615 = arith.constant 0 : i32
        %dma_wait3A_616 = tpu.memref_slice %arg5[%dma_wait3A_614, %dma_wait3A_615] : memref<10240x128xf32, #tpu.memory_space<vmem_shared>> -> memref<10240x128xf32, #tpu.memory_space<vmem_shared>>
        tpu.wait_indirect_dma semaphore(%arg15 : memref<!tpu.dma_semaphore, #tpu.memory_space<semaphore_mem>>) src(%arg11 : memref<80x128xf32, #tpu.memory_space<vmem>>) dst(%dma_wait3A_616 : memref<10240x128xf32, #tpu.memory_space<vmem_shared>>)
      } else {
      }
      %add3A_338 = arith.addi %mul3A_12, %add3A_332 : i32
      %dma_start3A_339 = arith.constant 0 : i32
      %dma_start3A_340 = arith.constant 0 : i32
      %dma_start3A_341 = tpu.memref_slice %arg3[%add3A_338, %dma_start3A_339, %dma_start3A_340] : memref<4000x2x80xi32, #tpu.memory_space<hbm>> -> memref<1x2x80xi32, #tpu.memory_space<hbm>>
      %dma_start3A_342 = tpu.memref_squeeze %dma_start3A_341 : memref<1x2x80xi32, #tpu.memory_space<hbm>> -> memref<2x80xi32, #tpu.memory_space<hbm>>
      %dma_start3A_343 = arith.constant 0 : i32
      %dma_start3A_344 = arith.constant 0 : i32
      %dma_start3A_345 = tpu.memref_slice %arg3[%add3A_338, %dma_start3A_343, %dma_start3A_344] : memref<4000x2x80xi32, #tpu.memory_space<hbm>> -> memref<1x2x80xi32, #tpu.memory_space<hbm>>
      %dma_start3A_346 = tpu.memref_squeeze %dma_start3A_345 : memref<1x2x80xi32, #tpu.memory_space<hbm>> -> memref<2x80xi32, #tpu.memory_space<hbm>>
      tpu.enqueue_dma source(%dma_start3A_346 : memref<2x80xi32, #tpu.memory_space<hbm>>) target(%arg8 : memref<2x80xi32, #tpu.memory_space<vmem>>) target_semaphore(%arg12 : memref<!tpu.dma_semaphore, #tpu.memory_space<semaphore_mem>>)
      %dma_wait3A_347 = arith.constant 0 : i32
      %dma_wait3A_348 = arith.constant 0 : i32
      %dma_wait3A_349 = tpu.memref_slice %arg3[%add3A_338, %dma_wait3A_347, %dma_wait3A_348] : memref<4000x2x80xi32, #tpu.memory_space<hbm>> -> memref<1x2x80xi32, #tpu.memory_space<hbm>>
      %dma_wait3A_350 = tpu.memref_squeeze %dma_wait3A_349 : memref<1x2x80xi32, #tpu.memory_space<hbm>> -> memref<2x80xi32, #tpu.memory_space<hbm>>
      %dma_wait3A_351 = arith.constant 0 : i32
      %dma_wait3A_352 = arith.constant 0 : i32
      %dma_wait3A_353 = tpu.memref_slice %arg3[%add3A_338, %dma_wait3A_351, %dma_wait3A_352] : memref<4000x2x80xi32, #tpu.memory_space<hbm>> -> memref<1x2x80xi32, #tpu.memory_space<hbm>>
      %dma_wait3A_354 = tpu.memref_squeeze %dma_wait3A_353 : memref<1x2x80xi32, #tpu.memory_space<hbm>> -> memref<2x80xi32, #tpu.memory_space<hbm>>
      tpu.wait_dma2 semaphore(%arg12 : memref<!tpu.dma_semaphore, #tpu.memory_space<semaphore_mem>>) src(%dma_wait3A_354 : memref<2x80xi32, #tpu.memory_space<hbm>>) dst(%arg8 : memref<2x80xi32, #tpu.memory_space<vmem>>)
      %dma_start3A_355 = arith.constant 0 : i32
      %dma_start3A_356 = arith.constant 0 : i32
      %dma_start3A_357 = tpu.memref_slice %arg8[%dma_start3A_355, %dma_start3A_356] : memref<2x80xi32, #tpu.memory_space<vmem>> -> memref<1x80xi32, #tpu.memory_space<vmem>>
      %dma_start3A_358 = tpu.memref_squeeze %dma_start3A_357 : memref<1x80xi32, #tpu.memory_space<vmem>> -> memref<80xi32, #tpu.memory_space<vmem>>
      %dma_start3A_359 = arith.constant 0 : i32
      %dma_start3A_360 = arith.constant 0 : i32
      %dma_start3A_361 = tpu.memref_slice %arg2[%dma_start3A_359, %dma_start3A_360] : memref<10000x128xf32, #tpu.memory_space<hbm>> -> memref<10000x128xf32, #tpu.memory_space<hbm>>
      tpu.enqueue_indirect_dma source(%dma_start3A_361 : memref<10000x128xf32, #tpu.memory_space<hbm>>) target(%arg11 : memref<80x128xf32, #tpu.memory_space<vmem>>) offsets(%dma_start3A_358 : memref<80xi32, #tpu.memory_space<vmem>>) semaphore(%arg12 : memref<!tpu.dma_semaphore, #tpu.memory_space<semaphore_mem>>)
      %sub3A_362 = arith.constant 1 : i32
      %sub3A_363 = arith.subi %add3A_332, %sub3A_362 : i32
      %dma_wait3A_364 = arith.constant 0 : i32
      %dma_wait3A_365 = arith.constant 0 : i32
      %dma_wait3A_366 = tpu.memref_slice %arg7[%dma_wait3A_364, %dma_wait3A_365] : memref<2x80xi32, #tpu.memory_space<vmem>> -> memref<1x80xi32, #tpu.memory_space<vmem>>
      %dma_wait3A_367 = tpu.memref_squeeze %dma_wait3A_366 : memref<1x80xi32, #tpu.memory_space<vmem>> -> memref<80xi32, #tpu.memory_space<vmem>>
      %dma_wait3A_368 = arith.constant 0 : i32
      %dma_wait3A_369 = arith.constant 0 : i32
      %dma_wait3A_370 = tpu.memref_slice %arg2[%dma_wait3A_368, %dma_wait3A_369] : memref<10000x128xf32, #tpu.memory_space<hbm>> -> memref<10000x128xf32, #tpu.memory_space<hbm>>
      tpu.wait_indirect_dma semaphore(%arg13 : memref<!tpu.dma_semaphore, #tpu.memory_space<semaphore_mem>>) src(%dma_wait3A_370 : memref<10000x128xf32, #tpu.memory_space<hbm>>) dst(%arg10 : memref<80x128xf32, #tpu.memory_space<vmem>>)
      %sub3A_371 = arith.constant 1 : i32
      %sub3A_372 = arith.subi %add3A_332, %sub3A_371 : i32
      %dma_start3A_373 = arith.constant 1 : i32
      %dma_start3A_374 = arith.constant 0 : i32
      %dma_start3A_375 = tpu.memref_slice %arg7[%dma_start3A_373, %dma_start3A_374] : memref<2x80xi32, #tpu.memory_space<vmem>> -> memref<1x80xi32, #tpu.memory_space<vmem>>
      %dma_start3A_376 = tpu.memref_squeeze %dma_start3A_375 : memref<1x80xi32, #tpu.memory_space<vmem>> -> memref<80xi32, #tpu.memory_space<vmem>>
      %dma_start3A_377 = arith.constant 0 : i32
      %dma_start3A_378 = arith.constant 0 : i32
      %dma_start3A_379 = tpu.memref_slice %arg5[%dma_start3A_377, %dma_start3A_378] : memref<10240x128xf32, #tpu.memory_space<vmem_shared>> -> memref<10240x128xf32, #tpu.memory_space<vmem_shared>>
      tpu.enqueue_indirect_dma source(%arg10 : memref<80x128xf32, #tpu.memory_space<vmem>>) target(%dma_start3A_379 : memref<10240x128xf32, #tpu.memory_space<vmem_shared>>) offsets(%dma_start3A_376 : memref<80xi32, #tpu.memory_space<vmem>>) semaphore(%arg15 : memref<!tpu.dma_semaphore, #tpu.memory_space<semaphore_mem>>) {add = true}
      %mul3A_380 = arith.constant 6 : i32
      %mul3A_381 = arith.muli %mul3A_380, %add3A_277 : i32
      %add3A_382 = arith.constant 1 : i32
      %add3A_383 = arith.addi %mul3A_381, %add3A_382 : i32
      %add3A_384 = arith.constant 2 : i32
      %add3A_385 = arith.addi %add3A_383, %add3A_384 : i32
      %sub3A_386 = arith.constant 3 : i32
      %sub3A_387 = arith.subi %add3A_385, %sub3A_386 : i32
      %dma_wait3A_388 = arith.constant 1 : i32
      %dma_wait3A_389 = arith.constant 0 : i32
      %dma_wait3A_390 = tpu.memref_slice %arg6[%dma_wait3A_388, %dma_wait3A_389] : memref<2x80xi32, #tpu.memory_space<vmem>> -> memref<1x80xi32, #tpu.memory_space<vmem>>
      %dma_wait3A_391 = tpu.memref_squeeze %dma_wait3A_390 : memref<1x80xi32, #tpu.memory_space<vmem>> -> memref<80xi32, #tpu.memory_space<vmem>>
      %dma_wait3A_392 = arith.constant 0 : i32
      %dma_wait3A_393 = arith.constant 0 : i32
      %dma_wait3A_394 = tpu.memref_slice %arg5[%dma_wait3A_392, %dma_wait3A_393] : memref<10240x128xf32, #tpu.memory_space<vmem_shared>> -> memref<10240x128xf32, #tpu.memory_space<vmem_shared>>
      tpu.wait_indirect_dma semaphore(%arg14 : memref<!tpu.dma_semaphore, #tpu.memory_space<semaphore_mem>>) src(%arg9 : memref<80x128xf32, #tpu.memory_space<vmem>>) dst(%dma_wait3A_394 : memref<10240x128xf32, #tpu.memory_space<vmem_shared>>)
      %add3A_395 = arith.addi %mul3A_12, %add3A_385 : i32
      %dma_start3A_396 = arith.constant 0 : i32
      %dma_start3A_397 = arith.constant 0 : i32
      %dma_start3A_398 = tpu.memref_slice %arg3[%add3A_395, %dma_start3A_396, %dma_start3A_397] : memref<4000x2x80xi32, #tpu.memory_space<hbm>> -> memref<1x2x80xi32, #tpu.memory_space<hbm>>
      %dma_start3A_399 = tpu.memref_squeeze %dma_start3A_398 : memref<1x2x80xi32, #tpu.memory_space<hbm>> -> memref<2x80xi32, #tpu.memory_space<hbm>>
      %dma_start3A_400 = arith.constant 0 : i32
      %dma_start3A_401 = arith.constant 0 : i32
      %dma_start3A_402 = tpu.memref_slice %arg3[%add3A_395, %dma_start3A_400, %dma_start3A_401] : memref<4000x2x80xi32, #tpu.memory_space<hbm>> -> memref<1x2x80xi32, #tpu.memory_space<hbm>>
      %dma_start3A_403 = tpu.memref_squeeze %dma_start3A_402 : memref<1x2x80xi32, #tpu.memory_space<hbm>> -> memref<2x80xi32, #tpu.memory_space<hbm>>
      tpu.enqueue_dma source(%dma_start3A_403 : memref<2x80xi32, #tpu.memory_space<hbm>>) target(%arg6 : memref<2x80xi32, #tpu.memory_space<vmem>>) target_semaphore(%arg13 : memref<!tpu.dma_semaphore, #tpu.memory_space<semaphore_mem>>)
      %dma_wait3A_404 = arith.constant 0 : i32
      %dma_wait3A_405 = arith.constant 0 : i32
      %dma_wait3A_406 = tpu.memref_slice %arg3[%add3A_395, %dma_wait3A_404, %dma_wait3A_405] : memref<4000x2x80xi32, #tpu.memory_space<hbm>> -> memref<1x2x80xi32, #tpu.memory_space<hbm>>
      %dma_wait3A_407 = tpu.memref_squeeze %dma_wait3A_406 : memref<1x2x80xi32, #tpu.memory_space<hbm>> -> memref<2x80xi32, #tpu.memory_space<hbm>>
      %dma_wait3A_408 = arith.constant 0 : i32
      %dma_wait3A_409 = arith.constant 0 : i32
      %dma_wait3A_410 = tpu.memref_slice %arg3[%add3A_395, %dma_wait3A_408, %dma_wait3A_409] : memref<4000x2x80xi32, #tpu.memory_space<hbm>> -> memref<1x2x80xi32, #tpu.memory_space<hbm>>
      %dma_wait3A_411 = tpu.memref_squeeze %dma_wait3A_410 : memref<1x2x80xi32, #tpu.memory_space<hbm>> -> memref<2x80xi32, #tpu.memory_space<hbm>>
      tpu.wait_dma2 semaphore(%arg13 : memref<!tpu.dma_semaphore, #tpu.memory_space<semaphore_mem>>) src(%dma_wait3A_411 : memref<2x80xi32, #tpu.memory_space<hbm>>) dst(%arg6 : memref<2x80xi32, #tpu.memory_space<vmem>>)
      %dma_start3A_412 = arith.constant 0 : i32
      %dma_start3A_413 = arith.constant 0 : i32
      %dma_start3A_414 = tpu.memref_slice %arg6[%dma_start3A_412, %dma_start3A_413] : memref<2x80xi32, #tpu.memory_space<vmem>> -> memref<1x80xi32, #tpu.memory_space<vmem>>
      %dma_start3A_415 = tpu.memref_squeeze %dma_start3A_414 : memref<1x80xi32, #tpu.memory_space<vmem>> -> memref<80xi32, #tpu.memory_space<vmem>>
      %dma_start3A_416 = arith.constant 0 : i32
      %dma_start3A_417 = arith.constant 0 : i32
      %dma_start3A_418 = tpu.memref_slice %arg2[%dma_start3A_416, %dma_start3A_417] : memref<10000x128xf32, #tpu.memory_space<hbm>> -> memref<10000x128xf32, #tpu.memory_space<hbm>>
      tpu.enqueue_indirect_dma source(%dma_start3A_418 : memref<10000x128xf32, #tpu.memory_space<hbm>>) target(%arg9 : memref<80x128xf32, #tpu.memory_space<vmem>>) offsets(%dma_start3A_415 : memref<80xi32, #tpu.memory_space<vmem>>) semaphore(%arg13 : memref<!tpu.dma_semaphore, #tpu.memory_space<semaphore_mem>>)
      %sub3A_419 = arith.constant 1 : i32
      %sub3A_420 = arith.subi %add3A_385, %sub3A_419 : i32
      %dma_wait3A_421 = arith.constant 0 : i32
      %dma_wait3A_422 = arith.constant 0 : i32
      %dma_wait3A_423 = tpu.memref_slice %arg8[%dma_wait3A_421, %dma_wait3A_422] : memref<2x80xi32, #tpu.memory_space<vmem>> -> memref<1x80xi32, #tpu.memory_space<vmem>>
      %dma_wait3A_424 = tpu.memref_squeeze %dma_wait3A_423 : memref<1x80xi32, #tpu.memory_space<vmem>> -> memref<80xi32, #tpu.memory_space<vmem>>
      %dma_wait3A_425 = arith.constant 0 : i32
      %dma_wait3A_426 = arith.constant 0 : i32
      %dma_wait3A_427 = tpu.memref_slice %arg2[%dma_wait3A_425, %dma_wait3A_426] : memref<10000x128xf32, #tpu.memory_space<hbm>> -> memref<10000x128xf32, #tpu.memory_space<hbm>>
      tpu.wait_indirect_dma semaphore(%arg12 : memref<!tpu.dma_semaphore, #tpu.memory_space<semaphore_mem>>) src(%dma_wait3A_427 : memref<10000x128xf32, #tpu.memory_space<hbm>>) dst(%arg11 : memref<80x128xf32, #tpu.memory_space<vmem>>)
      %sub3A_428 = arith.constant 1 : i32
      %sub3A_429 = arith.subi %add3A_385, %sub3A_428 : i32
      %dma_start3A_430 = arith.constant 1 : i32
      %dma_start3A_431 = arith.constant 0 : i32
      %dma_start3A_432 = tpu.memref_slice %arg8[%dma_start3A_430, %dma_start3A_431] : memref<2x80xi32, #tpu.memory_space<vmem>> -> memref<1x80xi32, #tpu.memory_space<vmem>>
      %dma_start3A_433 = tpu.memref_squeeze %dma_start3A_432 : memref<1x80xi32, #tpu.memory_space<vmem>> -> memref<80xi32, #tpu.memory_space<vmem>>
      %dma_start3A_434 = arith.constant 0 : i32
      %dma_start3A_435 = arith.constant 0 : i32
      %dma_start3A_436 = tpu.memref_slice %arg5[%dma_start3A_434, %dma_start3A_435] : memref<10240x128xf32, #tpu.memory_space<vmem_shared>> -> memref<10240x128xf32, #tpu.memory_space<vmem_shared>>
      tpu.enqueue_indirect_dma source(%arg11 : memref<80x128xf32, #tpu.memory_space<vmem>>) target(%dma_start3A_436 : memref<10240x128xf32, #tpu.memory_space<vmem_shared>>) offsets(%dma_start3A_433 : memref<80xi32, #tpu.memory_space<vmem>>) semaphore(%arg14 : memref<!tpu.dma_semaphore, #tpu.memory_space<semaphore_mem>>) {add = true}
      %mul3A_437 = arith.constant 6 : i32
      %mul3A_438 = arith.muli %mul3A_437, %add3A_277 : i32
      %add3A_439 = arith.constant 1 : i32
      %add3A_440 = arith.addi %mul3A_438, %add3A_439 : i32
      %add3A_441 = arith.constant 3 : i32
      %add3A_442 = arith.addi %add3A_440, %add3A_441 : i32
      %sub3A_443 = arith.constant 3 : i32
      %sub3A_444 = arith.subi %add3A_442, %sub3A_443 : i32
      %dma_wait3A_445 = arith.constant 1 : i32
      %dma_wait3A_446 = arith.constant 0 : i32
      %dma_wait3A_447 = tpu.memref_slice %arg7[%dma_wait3A_445, %dma_wait3A_446] : memref<2x80xi32, #tpu.memory_space<vmem>> -> memref<1x80xi32, #tpu.memory_space<vmem>>
      %dma_wait3A_448 = tpu.memref_squeeze %dma_wait3A_447 : memref<1x80xi32, #tpu.memory_space<vmem>> -> memref<80xi32, #tpu.memory_space<vmem>>
      %dma_wait3A_449 = arith.constant 0 : i32
      %dma_wait3A_450 = arith.constant 0 : i32
      %dma_wait3A_451 = tpu.memref_slice %arg5[%dma_wait3A_449, %dma_wait3A_450] : memref<10240x128xf32, #tpu.memory_space<vmem_shared>> -> memref<10240x128xf32, #tpu.memory_space<vmem_shared>>
      tpu.wait_indirect_dma semaphore(%arg15 : memref<!tpu.dma_semaphore, #tpu.memory_space<semaphore_mem>>) src(%arg10 : memref<80x128xf32, #tpu.memory_space<vmem>>) dst(%dma_wait3A_451 : memref<10240x128xf32, #tpu.memory_space<vmem_shared>>)
      %add3A_452 = arith.addi %mul3A_12, %add3A_442 : i32
      %dma_start3A_453 = arith.constant 0 : i32
      %dma_start3A_454 = arith.constant 0 : i32
      %dma_start3A_455 = tpu.memref_slice %arg3[%add3A_452, %dma_start3A_453, %dma_start3A_454] : memref<4000x2x80xi32, #tpu.memory_space<hbm>> -> memref<1x2x80xi32, #tpu.memory_space<hbm>>
      %dma_start3A_456 = tpu.memref_squeeze %dma_start3A_455 : memref<1x2x80xi32, #tpu.memory_space<hbm>> -> memref<2x80xi32, #tpu.memory_space<hbm>>
      %dma_start3A_457 = arith.constant 0 : i32
      %dma_start3A_458 = arith.constant 0 : i32
      %dma_start3A_459 = tpu.memref_slice %arg3[%add3A_452, %dma_start3A_457, %dma_start3A_458] : memref<4000x2x80xi32, #tpu.memory_space<hbm>> -> memref<1x2x80xi32, #tpu.memory_space<hbm>>
      %dma_start3A_460 = tpu.memref_squeeze %dma_start3A_459 : memref<1x2x80xi32, #tpu.memory_space<hbm>> -> memref<2x80xi32, #tpu.memory_space<hbm>>
      tpu.enqueue_dma source(%dma_start3A_460 : memref<2x80xi32, #tpu.memory_space<hbm>>) target(%arg7 : memref<2x80xi32, #tpu.memory_space<vmem>>) target_semaphore(%arg12 : memref<!tpu.dma_semaphore, #tpu.memory_space<semaphore_mem>>)
      %dma_wait3A_461 = arith.constant 0 : i32
      %dma_wait3A_462 = arith.constant 0 : i32
      %dma_wait3A_463 = tpu.memref_slice %arg3[%add3A_452, %dma_wait3A_461, %dma_wait3A_462] : memref<4000x2x80xi32, #tpu.memory_space<hbm>> -> memref<1x2x80xi32, #tpu.memory_space<hbm>>
      %dma_wait3A_464 = tpu.memref_squeeze %dma_wait3A_463 : memref<1x2x80xi32, #tpu.memory_space<hbm>> -> memref<2x80xi32, #tpu.memory_space<hbm>>
      %dma_wait3A_465 = arith.constant 0 : i32
      %dma_wait3A_466 = arith.constant 0 : i32
      %dma_wait3A_467 = tpu.memref_slice %arg3[%add3A_452, %dma_wait3A_465, %dma_wait3A_466] : memref<4000x2x80xi32, #tpu.memory_space<hbm>> -> memref<1x2x80xi32, #tpu.memory_space<hbm>>
      %dma_wait3A_468 = tpu.memref_squeeze %dma_wait3A_467 : memref<1x2x80xi32, #tpu.memory_space<hbm>> -> memref<2x80xi32, #tpu.memory_space<hbm>>
      tpu.wait_dma2 semaphore(%arg12 : memref<!tpu.dma_semaphore, #tpu.memory_space<semaphore_mem>>) src(%dma_wait3A_468 : memref<2x80xi32, #tpu.memory_space<hbm>>) dst(%arg7 : memref<2x80xi32, #tpu.memory_space<vmem>>)
      %dma_start3A_469 = arith.constant 0 : i32
      %dma_start3A_470 = arith.constant 0 : i32
      %dma_start3A_471 = tpu.memref_slice %arg7[%dma_start3A_469, %dma_start3A_470] : memref<2x80xi32, #tpu.memory_space<vmem>> -> memref<1x80xi32, #tpu.memory_space<vmem>>
      %dma_start3A_472 = tpu.memref_squeeze %dma_start3A_471 : memref<1x80xi32, #tpu.memory_space<vmem>> -> memref<80xi32, #tpu.memory_space<vmem>>
      %dma_start3A_473 = arith.constant 0 : i32
      %dma_start3A_474 = arith.constant 0 : i32
      %dma_start3A_475 = tpu.memref_slice %arg2[%dma_start3A_473, %dma_start3A_474] : memref<10000x128xf32, #tpu.memory_space<hbm>> -> memref<10000x128xf32, #tpu.memory_space<hbm>>
      tpu.enqueue_indirect_dma source(%dma_start3A_475 : memref<10000x128xf32, #tpu.memory_space<hbm>>) target(%arg10 : memref<80x128xf32, #tpu.memory_space<vmem>>) offsets(%dma_start3A_472 : memref<80xi32, #tpu.memory_space<vmem>>) semaphore(%arg12 : memref<!tpu.dma_semaphore, #tpu.memory_space<semaphore_mem>>)
      %sub3A_476 = arith.constant 1 : i32
      %sub3A_477 = arith.subi %add3A_442, %sub3A_476 : i32
      %dma_wait3A_478 = arith.constant 0 : i32
      %dma_wait3A_479 = arith.constant 0 : i32
      %dma_wait3A_480 = tpu.memref_slice %arg6[%dma_wait3A_478, %dma_wait3A_479] : memref<2x80xi32, #tpu.memory_space<vmem>> -> memref<1x80xi32, #tpu.memory_space<vmem>>
      %dma_wait3A_481 = tpu.memref_squeeze %dma_wait3A_480 : memref<1x80xi32, #tpu.memory_space<vmem>> -> memref<80xi32, #tpu.memory_space<vmem>>
      %dma_wait3A_482 = arith.constant 0 : i32
      %dma_wait3A_483 = arith.constant 0 : i32
      %dma_wait3A_484 = tpu.memref_slice %arg2[%dma_wait3A_482, %dma_wait3A_483] : memref<10000x128xf32, #tpu.memory_space<hbm>> -> memref<10000x128xf32, #tpu.memory_space<hbm>>
      tpu.wait_indirect_dma semaphore(%arg13 : memref<!tpu.dma_semaphore, #tpu.memory_space<semaphore_mem>>) src(%dma_wait3A_484 : memref<10000x128xf32, #tpu.memory_space<hbm>>) dst(%arg9 : memref<80x128xf32, #tpu.memory_space<vmem>>)
      %sub3A_485 = arith.constant 1 : i32
      %sub3A_486 = arith.subi %add3A_442, %sub3A_485 : i32
      %dma_start3A_487 = arith.constant 1 : i32
      %dma_start3A_488 = arith.constant 0 : i32
      %dma_start3A_489 = tpu.memref_slice %arg6[%dma_start3A_487, %dma_start3A_488] : memref<2x80xi32, #tpu.memory_space<vmem>> -> memref<1x80xi32, #tpu.memory_space<vmem>>
      %dma_start3A_490 = tpu.memref_squeeze %dma_start3A_489 : memref<1x80xi32, #tpu.memory_space<vmem>> -> memref<80xi32, #tpu.memory_space<vmem>>
      %dma_start3A_491 = arith.constant 0 : i32
      %dma_start3A_492 = arith.constant 0 : i32
      %dma_start3A_493 = tpu.memref_slice %arg5[%dma_start3A_491, %dma_start3A_492] : memref<10240x128xf32, #tpu.memory_space<vmem_shared>> -> memref<10240x128xf32, #tpu.memory_space<vmem_shared>>
      tpu.enqueue_indirect_dma source(%arg9 : memref<80x128xf32, #tpu.memory_space<vmem>>) target(%dma_start3A_493 : memref<10240x128xf32, #tpu.memory_space<vmem_shared>>) offsets(%dma_start3A_490 : memref<80xi32, #tpu.memory_space<vmem>>) semaphore(%arg15 : memref<!tpu.dma_semaphore, #tpu.memory_space<semaphore_mem>>) {add = true}
      %mul3A_494 = arith.constant 6 : i32
      %mul3A_495 = arith.muli %mul3A_494, %add3A_277 : i32
      %add3A_496 = arith.constant 1 : i32
      %add3A_497 = arith.addi %mul3A_495, %add3A_496 : i32
      %add3A_498 = arith.constant 4 : i32
      %add3A_499 = arith.addi %add3A_497, %add3A_498 : i32
      %sub3A_500 = arith.constant 3 : i32
      %sub3A_501 = arith.subi %add3A_499, %sub3A_500 : i32
      %dma_wait3A_502 = arith.constant 1 : i32
      %dma_wait3A_503 = arith.constant 0 : i32
      %dma_wait3A_504 = tpu.memref_slice %arg8[%dma_wait3A_502, %dma_wait3A_503] : memref<2x80xi32, #tpu.memory_space<vmem>> -> memref<1x80xi32, #tpu.memory_space<vmem>>
      %dma_wait3A_505 = tpu.memref_squeeze %dma_wait3A_504 : memref<1x80xi32, #tpu.memory_space<vmem>> -> memref<80xi32, #tpu.memory_space<vmem>>
      %dma_wait3A_506 = arith.constant 0 : i32
      %dma_wait3A_507 = arith.constant 0 : i32
      %dma_wait3A_508 = tpu.memref_slice %arg5[%dma_wait3A_506, %dma_wait3A_507] : memref<10240x128xf32, #tpu.memory_space<vmem_shared>> -> memref<10240x128xf32, #tpu.memory_space<vmem_shared>>
      tpu.wait_indirect_dma semaphore(%arg14 : memref<!tpu.dma_semaphore, #tpu.memory_space<semaphore_mem>>) src(%arg11 : memref<80x128xf32, #tpu.memory_space<vmem>>) dst(%dma_wait3A_508 : memref<10240x128xf32, #tpu.memory_space<vmem_shared>>)
      %add3A_509 = arith.addi %mul3A_12, %add3A_499 : i32
      %dma_start3A_510 = arith.constant 0 : i32
      %dma_start3A_511 = arith.constant 0 : i32
      %dma_start3A_512 = tpu.memref_slice %arg3[%add3A_509, %dma_start3A_510, %dma_start3A_511] : memref<4000x2x80xi32, #tpu.memory_space<hbm>> -> memref<1x2x80xi32, #tpu.memory_space<hbm>>
      %dma_start3A_513 = tpu.memref_squeeze %dma_start3A_512 : memref<1x2x80xi32, #tpu.memory_space<hbm>> -> memref<2x80xi32, #tpu.memory_space<hbm>>
      %dma_start3A_514 = arith.constant 0 : i32
      %dma_start3A_515 = arith.constant 0 : i32
      %dma_start3A_516 = tpu.memref_slice %arg3[%add3A_509, %dma_start3A_514, %dma_start3A_515] : memref<4000x2x80xi32, #tpu.memory_space<hbm>> -> memref<1x2x80xi32, #tpu.memory_space<hbm>>
      %dma_start3A_517 = tpu.memref_squeeze %dma_start3A_516 : memref<1x2x80xi32, #tpu.memory_space<hbm>> -> memref<2x80xi32, #tpu.memory_space<hbm>>
      tpu.enqueue_dma source(%dma_start3A_517 : memref<2x80xi32, #tpu.memory_space<hbm>>) target(%arg8 : memref<2x80xi32, #tpu.memory_space<vmem>>) target_semaphore(%arg13 : memref<!tpu.dma_semaphore, #tpu.memory_space<semaphore_mem>>)
      %dma_wait3A_518 = arith.constant 0 : i32
      %dma_wait3A_519 = arith.constant 0 : i32
      %dma_wait3A_520 = tpu.memref_slice %arg3[%add3A_509, %dma_wait3A_518, %dma_wait3A_519] : memref<4000x2x80xi32, #tpu.memory_space<hbm>> -> memref<1x2x80xi32, #tpu.memory_space<hbm>>
      %dma_wait3A_521 = tpu.memref_squeeze %dma_wait3A_520 : memref<1x2x80xi32, #tpu.memory_space<hbm>> -> memref<2x80xi32, #tpu.memory_space<hbm>>
      %dma_wait3A_522 = arith.constant 0 : i32
      %dma_wait3A_523 = arith.constant 0 : i32
      %dma_wait3A_524 = tpu.memref_slice %arg3[%add3A_509, %dma_wait3A_522, %dma_wait3A_523] : memref<4000x2x80xi32, #tpu.memory_space<hbm>> -> memref<1x2x80xi32, #tpu.memory_space<hbm>>
      %dma_wait3A_525 = tpu.memref_squeeze %dma_wait3A_524 : memref<1x2x80xi32, #tpu.memory_space<hbm>> -> memref<2x80xi32, #tpu.memory_space<hbm>>
      tpu.wait_dma2 semaphore(%arg13 : memref<!tpu.dma_semaphore, #tpu.memory_space<semaphore_mem>>) src(%dma_wait3A_525 : memref<2x80xi32, #tpu.memory_space<hbm>>) dst(%arg8 : memref<2x80xi32, #tpu.memory_space<vmem>>)
      %dma_start3A_526 = arith.constant 0 : i32
      %dma_start3A_527 = arith.constant 0 : i32
      %dma_start3A_528 = tpu.memref_slice %arg8[%dma_start3A_526, %dma_start3A_527] : memref<2x80xi32, #tpu.memory_space<vmem>> -> memref<1x80xi32, #tpu.memory_space<vmem>>
      %dma_start3A_529 = tpu.memref_squeeze %dma_start3A_528 : memref<1x80xi32, #tpu.memory_space<vmem>> -> memref<80xi32, #tpu.memory_space<vmem>>
      %dma_start3A_530 = arith.constant 0 : i32
      %dma_start3A_531 = arith.constant 0 : i32
      %dma_start3A_532 = tpu.memref_slice %arg2[%dma_start3A_530, %dma_start3A_531] : memref<10000x128xf32, #tpu.memory_space<hbm>> -> memref<10000x128xf32, #tpu.memory_space<hbm>>
      tpu.enqueue_indirect_dma source(%dma_start3A_532 : memref<10000x128xf32, #tpu.memory_space<hbm>>) target(%arg11 : memref<80x128xf32, #tpu.memory_space<vmem>>) offsets(%dma_start3A_529 : memref<80xi32, #tpu.memory_space<vmem>>) semaphore(%arg13 : memref<!tpu.dma_semaphore, #tpu.memory_space<semaphore_mem>>)
      %sub3A_533 = arith.constant 1 : i32
      %sub3A_534 = arith.subi %add3A_499, %sub3A_533 : i32
      %dma_wait3A_535 = arith.constant 0 : i32
      %dma_wait3A_536 = arith.constant 0 : i32
      %dma_wait3A_537 = tpu.memref_slice %arg7[%dma_wait3A_535, %dma_wait3A_536] : memref<2x80xi32, #tpu.memory_space<vmem>> -> memref<1x80xi32, #tpu.memory_space<vmem>>
      %dma_wait3A_538 = tpu.memref_squeeze %dma_wait3A_537 : memref<1x80xi32, #tpu.memory_space<vmem>> -> memref<80xi32, #tpu.memory_space<vmem>>
      %dma_wait3A_539 = arith.constant 0 : i32
      %dma_wait3A_540 = arith.constant 0 : i32
      %dma_wait3A_541 = tpu.memref_slice %arg2[%dma_wait3A_539, %dma_wait3A_540] : memref<10000x128xf32, #tpu.memory_space<hbm>> -> memref<10000x128xf32, #tpu.memory_space<hbm>>
      tpu.wait_indirect_dma semaphore(%arg12 : memref<!tpu.dma_semaphore, #tpu.memory_space<semaphore_mem>>) src(%dma_wait3A_541 : memref<10000x128xf32, #tpu.memory_space<hbm>>) dst(%arg10 : memref<80x128xf32, #tpu.memory_space<vmem>>)
      %sub3A_542 = arith.constant 1 : i32
      %sub3A_543 = arith.subi %add3A_499, %sub3A_542 : i32
      %dma_start3A_544 = arith.constant 1 : i32
      %dma_start3A_545 = arith.constant 0 : i32
      %dma_start3A_546 = tpu.memref_slice %arg7[%dma_start3A_544, %dma_start3A_545] : memref<2x80xi32, #tpu.memory_space<vmem>> -> memref<1x80xi32, #tpu.memory_space<vmem>>
      %dma_start3A_547 = tpu.memref_squeeze %dma_start3A_546 : memref<1x80xi32, #tpu.memory_space<vmem>> -> memref<80xi32, #tpu.memory_space<vmem>>
      %dma_start3A_548 = arith.constant 0 : i32
      %dma_start3A_549 = arith.constant 0 : i32
      %dma_start3A_550 = tpu.memref_slice %arg5[%dma_start3A_548, %dma_start3A_549] : memref<10240x128xf32, #tpu.memory_space<vmem_shared>> -> memref<10240x128xf32, #tpu.memory_space<vmem_shared>>
      tpu.enqueue_indirect_dma source(%arg10 : memref<80x128xf32, #tpu.memory_space<vmem>>) target(%dma_start3A_550 : memref<10240x128xf32, #tpu.memory_space<vmem_shared>>) offsets(%dma_start3A_547 : memref<80xi32, #tpu.memory_space<vmem>>) semaphore(%arg14 : memref<!tpu.dma_semaphore, #tpu.memory_space<semaphore_mem>>) {add = true}
      %mul3A_551 = arith.constant 6 : i32
      %mul3A_552 = arith.muli %mul3A_551, %add3A_277 : i32
      %add3A_553 = arith.constant 1 : i32
      %add3A_554 = arith.addi %mul3A_552, %add3A_553 : i32
      %add3A_555 = arith.constant 5 : i32
      %add3A_556 = arith.addi %add3A_554, %add3A_555 : i32
      %sub3A_557 = arith.constant 3 : i32
      %sub3A_558 = arith.subi %add3A_556, %sub3A_557 : i32
      %dma_wait3A_559 = arith.constant 1 : i32
      %dma_wait3A_560 = arith.constant 0 : i32
      %dma_wait3A_561 = tpu.memref_slice %arg6[%dma_wait3A_559, %dma_wait3A_560] : memref<2x80xi32, #tpu.memory_space<vmem>> -> memref<1x80xi32, #tpu.memory_space<vmem>>
      %dma_wait3A_562 = tpu.memref_squeeze %dma_wait3A_561 : memref<1x80xi32, #tpu.memory_space<vmem>> -> memref<80xi32, #tpu.memory_space<vmem>>
      %dma_wait3A_563 = arith.constant 0 : i32
      %dma_wait3A_564 = arith.constant 0 : i32
      %dma_wait3A_565 = tpu.memref_slice %arg5[%dma_wait3A_563, %dma_wait3A_564] : memref<10240x128xf32, #tpu.memory_space<vmem_shared>> -> memref<10240x128xf32, #tpu.memory_space<vmem_shared>>
      tpu.wait_indirect_dma semaphore(%arg15 : memref<!tpu.dma_semaphore, #tpu.memory_space<semaphore_mem>>) src(%arg9 : memref<80x128xf32, #tpu.memory_space<vmem>>) dst(%dma_wait3A_565 : memref<10240x128xf32, #tpu.memory_space<vmem_shared>>)
      %add3A_566 = arith.addi %mul3A_12, %add3A_556 : i32
      %dma_start3A_567 = arith.constant 0 : i32
      %dma_start3A_568 = arith.constant 0 : i32
      %dma_start3A_569 = tpu.memref_slice %arg3[%add3A_566, %dma_start3A_567, %dma_start3A_568] : memref<4000x2x80xi32, #tpu.memory_space<hbm>> -> memref<1x2x80xi32, #tpu.memory_space<hbm>>
      %dma_start3A_570 = tpu.memref_squeeze %dma_start3A_569 : memref<1x2x80xi32, #tpu.memory_space<hbm>> -> memref<2x80xi32, #tpu.memory_space<hbm>>
      %dma_start3A_571 = arith.constant 0 : i32
      %dma_start3A_572 = arith.constant 0 : i32
      %dma_start3A_573 = tpu.memref_slice %arg3[%add3A_566, %dma_start3A_571, %dma_start3A_572] : memref<4000x2x80xi32, #tpu.memory_space<hbm>> -> memref<1x2x80xi32, #tpu.memory_space<hbm>>
      %dma_start3A_574 = tpu.memref_squeeze %dma_start3A_573 : memref<1x2x80xi32, #tpu.memory_space<hbm>> -> memref<2x80xi32, #tpu.memory_space<hbm>>
      tpu.enqueue_dma source(%dma_start3A_574 : memref<2x80xi32, #tpu.memory_space<hbm>>) target(%arg6 : memref<2x80xi32, #tpu.memory_space<vmem>>) target_semaphore(%arg12 : memref<!tpu.dma_semaphore, #tpu.memory_space<semaphore_mem>>)
      %dma_wait3A_575 = arith.constant 0 : i32
      %dma_wait3A_576 = arith.constant 0 : i32
      %dma_wait3A_577 = tpu.memref_slice %arg3[%add3A_566, %dma_wait3A_575, %dma_wait3A_576] : memref<4000x2x80xi32, #tpu.memory_space<hbm>> -> memref<1x2x80xi32, #tpu.memory_space<hbm>>
      %dma_wait3A_578 = tpu.memref_squeeze %dma_wait3A_577 : memref<1x2x80xi32, #tpu.memory_space<hbm>> -> memref<2x80xi32, #tpu.memory_space<hbm>>
      %dma_wait3A_579 = arith.constant 0 : i32
      %dma_wait3A_580 = arith.constant 0 : i32
      %dma_wait3A_581 = tpu.memref_slice %arg3[%add3A_566, %dma_wait3A_579, %dma_wait3A_580] : memref<4000x2x80xi32, #tpu.memory_space<hbm>> -> memref<1x2x80xi32, #tpu.memory_space<hbm>>
      %dma_wait3A_582 = tpu.memref_squeeze %dma_wait3A_581 : memref<1x2x80xi32, #tpu.memory_space<hbm>> -> memref<2x80xi32, #tpu.memory_space<hbm>>
      tpu.wait_dma2 semaphore(%arg12 : memref<!tpu.dma_semaphore, #tpu.memory_space<semaphore_mem>>) src(%dma_wait3A_582 : memref<2x80xi32, #tpu.memory_space<hbm>>) dst(%arg6 : memref<2x80xi32, #tpu.memory_space<vmem>>)
      %dma_start3A_583 = arith.constant 0 : i32
      %dma_start3A_584 = arith.constant 0 : i32
      %dma_start3A_585 = tpu.memref_slice %arg6[%dma_start3A_583, %dma_start3A_584] : memref<2x80xi32, #tpu.memory_space<vmem>> -> memref<1x80xi32, #tpu.memory_space<vmem>>
      %dma_start3A_586 = tpu.memref_squeeze %dma_start3A_585 : memref<1x80xi32, #tpu.memory_space<vmem>> -> memref<80xi32, #tpu.memory_space<vmem>>
      %dma_start3A_587 = arith.constant 0 : i32
      %dma_start3A_588 = arith.constant 0 : i32
      %dma_start3A_589 = tpu.memref_slice %arg2[%dma_start3A_587, %dma_start3A_588] : memref<10000x128xf32, #tpu.memory_space<hbm>> -> memref<10000x128xf32, #tpu.memory_space<hbm>>
      tpu.enqueue_indirect_dma source(%dma_start3A_589 : memref<10000x128xf32, #tpu.memory_space<hbm>>) target(%arg9 : memref<80x128xf32, #tpu.memory_space<vmem>>) offsets(%dma_start3A_586 : memref<80xi32, #tpu.memory_space<vmem>>) semaphore(%arg12 : memref<!tpu.dma_semaphore, #tpu.memory_space<semaphore_mem>>)
      %sub3A_590 = arith.constant 1 : i32
      %sub3A_591 = arith.subi %add3A_556, %sub3A_590 : i32
      %dma_wait3A_592 = arith.constant 0 : i32
      %dma_wait3A_593 = arith.constant 0 : i32
      %dma_wait3A_594 = tpu.memref_slice %arg8[%dma_wait3A_592, %dma_wait3A_593] : memref<2x80xi32, #tpu.memory_space<vmem>> -> memref<1x80xi32, #tpu.memory_space<vmem>>
      %dma_wait3A_595 = tpu.memref_squeeze %dma_wait3A_594 : memref<1x80xi32, #tpu.memory_space<vmem>> -> memref<80xi32, #tpu.memory_space<vmem>>
      %dma_wait3A_596 = arith.constant 0 : i32
      %dma_wait3A_597 = arith.constant 0 : i32
      %dma_wait3A_598 = tpu.memref_slice %arg2[%dma_wait3A_596, %dma_wait3A_597] : memref<10000x128xf32, #tpu.memory_space<hbm>> -> memref<10000x128xf32, #tpu.memory_space<hbm>>
      tpu.wait_indirect_dma semaphore(%arg13 : memref<!tpu.dma_semaphore, #tpu.memory_space<semaphore_mem>>) src(%dma_wait3A_598 : memref<10000x128xf32, #tpu.memory_space<hbm>>) dst(%arg11 : memref<80x128xf32, #tpu.memory_space<vmem>>)
      %sub3A_599 = arith.constant 1 : i32
      %sub3A_600 = arith.subi %add3A_556, %sub3A_599 : i32
      %dma_start3A_601 = arith.constant 1 : i32
      %dma_start3A_602 = arith.constant 0 : i32
      %dma_start3A_603 = tpu.memref_slice %arg8[%dma_start3A_601, %dma_start3A_602] : memref<2x80xi32, #tpu.memory_space<vmem>> -> memref<1x80xi32, #tpu.memory_space<vmem>>
      %dma_start3A_604 = tpu.memref_squeeze %dma_start3A_603 : memref<1x80xi32, #tpu.memory_space<vmem>> -> memref<80xi32, #tpu.memory_space<vmem>>
      %dma_start3A_605 = arith.constant 0 : i32
      %dma_start3A_606 = arith.constant 0 : i32
      %dma_start3A_607 = tpu.memref_slice %arg5[%dma_start3A_605, %dma_start3A_606] : memref<10240x128xf32, #tpu.memory_space<vmem_shared>> -> memref<10240x128xf32, #tpu.memory_space<vmem_shared>>
      tpu.enqueue_indirect_dma source(%arg11 : memref<80x128xf32, #tpu.memory_space<vmem>>) target(%dma_start3A_607 : memref<10240x128xf32, #tpu.memory_space<vmem_shared>>) offsets(%dma_start3A_604 : memref<80xi32, #tpu.memory_space<vmem>>) semaphore(%arg15 : memref<!tpu.dma_semaphore, #tpu.memory_space<semaphore_mem>>) {add = true}
    }
    %scan3A_40 = arith.constant 20 : i32
    %dma_wait3A_41 = arith.constant 1 : i32
    %dma_wait3A_42 = arith.constant 0 : i32
    %dma_wait3A_43 = tpu.memref_slice %arg7[%dma_wait3A_41, %dma_wait3A_42] : memref<2x80xi32, #tpu.memory_space<vmem>> -> memref<1x80xi32, #tpu.memory_space<vmem>>
    %dma_wait3A_44 = tpu.memref_squeeze %dma_wait3A_43 : memref<1x80xi32, #tpu.memory_space<vmem>> -> memref<80xi32, #tpu.memory_space<vmem>>
    %dma_wait3A_45 = arith.constant 0 : i32
    %dma_wait3A_46 = arith.constant 0 : i32
    %dma_wait3A_47 = tpu.memref_slice %arg5[%dma_wait3A_45, %dma_wait3A_46] : memref<10240x128xf32, #tpu.memory_space<vmem_shared>> -> memref<10240x128xf32, #tpu.memory_space<vmem_shared>>
    tpu.wait_indirect_dma semaphore(%arg14 : memref<!tpu.dma_semaphore, #tpu.memory_space<semaphore_mem>>) src(%arg10 : memref<80x128xf32, #tpu.memory_space<vmem>>) dst(%dma_wait3A_47 : memref<10240x128xf32, #tpu.memory_space<vmem_shared>>)
    %add3A_48 = arith.constant 121 : i32
    %add3A_49 = arith.addi %mul3A_12, %add3A_48 : i32
    %dma_start3A_50 = arith.constant 0 : i32
    %dma_start3A_51 = arith.constant 0 : i32
    %dma_start3A_52 = tpu.memref_slice %arg3[%add3A_49, %dma_start3A_50, %dma_start3A_51] : memref<4000x2x80xi32, #tpu.memory_space<hbm>> -> memref<1x2x80xi32, #tpu.memory_space<hbm>>
    %dma_start3A_53 = tpu.memref_squeeze %dma_start3A_52 : memref<1x2x80xi32, #tpu.memory_space<hbm>> -> memref<2x80xi32, #tpu.memory_space<hbm>>
    %dma_start3A_54 = arith.constant 0 : i32
    %dma_start3A_55 = arith.constant 0 : i32
    %dma_start3A_56 = tpu.memref_slice %arg3[%add3A_49, %dma_start3A_54, %dma_start3A_55] : memref<4000x2x80xi32, #tpu.memory_space<hbm>> -> memref<1x2x80xi32, #tpu.memory_space<hbm>>
    %dma_start3A_57 = tpu.memref_squeeze %dma_start3A_56 : memref<1x2x80xi32, #tpu.memory_space<hbm>> -> memref<2x80xi32, #tpu.memory_space<hbm>>
    tpu.enqueue_dma source(%dma_start3A_57 : memref<2x80xi32, #tpu.memory_space<hbm>>) target(%arg7 : memref<2x80xi32, #tpu.memory_space<vmem>>) target_semaphore(%arg13 : memref<!tpu.dma_semaphore, #tpu.memory_space<semaphore_mem>>)
    %dma_wait3A_58 = arith.constant 0 : i32
    %dma_wait3A_59 = arith.constant 0 : i32
    %dma_wait3A_60 = tpu.memref_slice %arg3[%add3A_49, %dma_wait3A_58, %dma_wait3A_59] : memref<4000x2x80xi32, #tpu.memory_space<hbm>> -> memref<1x2x80xi32, #tpu.memory_space<hbm>>
    %dma_wait3A_61 = tpu.memref_squeeze %dma_wait3A_60 : memref<1x2x80xi32, #tpu.memory_space<hbm>> -> memref<2x80xi32, #tpu.memory_space<hbm>>
    %dma_wait3A_62 = arith.constant 0 : i32
    %dma_wait3A_63 = arith.constant 0 : i32
    %dma_wait3A_64 = tpu.memref_slice %arg3[%add3A_49, %dma_wait3A_62, %dma_wait3A_63] : memref<4000x2x80xi32, #tpu.memory_space<hbm>> -> memref<1x2x80xi32, #tpu.memory_space<hbm>>
    %dma_wait3A_65 = tpu.memref_squeeze %dma_wait3A_64 : memref<1x2x80xi32, #tpu.memory_space<hbm>> -> memref<2x80xi32, #tpu.memory_space<hbm>>
    tpu.wait_dma2 semaphore(%arg13 : memref<!tpu.dma_semaphore, #tpu.memory_space<semaphore_mem>>) src(%dma_wait3A_65 : memref<2x80xi32, #tpu.memory_space<hbm>>) dst(%arg7 : memref<2x80xi32, #tpu.memory_space<vmem>>)
    %dma_start3A_66 = arith.constant 0 : i32
    %dma_start3A_67 = arith.constant 0 : i32
    %dma_start3A_68 = tpu.memref_slice %arg7[%dma_start3A_66, %dma_start3A_67] : memref<2x80xi32, #tpu.memory_space<vmem>> -> memref<1x80xi32, #tpu.memory_space<vmem>>
    %dma_start3A_69 = tpu.memref_squeeze %dma_start3A_68 : memref<1x80xi32, #tpu.memory_space<vmem>> -> memref<80xi32, #tpu.memory_space<vmem>>
    %dma_start3A_70 = arith.constant 0 : i32
    %dma_start3A_71 = arith.constant 0 : i32
    %dma_start3A_72 = tpu.memref_slice %arg2[%dma_start3A_70, %dma_start3A_71] : memref<10000x128xf32, #tpu.memory_space<hbm>> -> memref<10000x128xf32, #tpu.memory_space<hbm>>
    tpu.enqueue_indirect_dma source(%dma_start3A_72 : memref<10000x128xf32, #tpu.memory_space<hbm>>) target(%arg10 : memref<80x128xf32, #tpu.memory_space<vmem>>) offsets(%dma_start3A_69 : memref<80xi32, #tpu.memory_space<vmem>>) semaphore(%arg13 : memref<!tpu.dma_semaphore, #tpu.memory_space<semaphore_mem>>)
    %dma_wait3A_73 = arith.constant 0 : i32
    %dma_wait3A_74 = arith.constant 0 : i32
    %dma_wait3A_75 = tpu.memref_slice %arg6[%dma_wait3A_73, %dma_wait3A_74] : memref<2x80xi32, #tpu.memory_space<vmem>> -> memref<1x80xi32, #tpu.memory_space<vmem>>
    %dma_wait3A_76 = tpu.memref_squeeze %dma_wait3A_75 : memref<1x80xi32, #tpu.memory_space<vmem>> -> memref<80xi32, #tpu.memory_space<vmem>>
    %dma_wait3A_77 = arith.constant 0 : i32
    %dma_wait3A_78 = arith.constant 0 : i32
    %dma_wait3A_79 = tpu.memref_slice %arg2[%dma_wait3A_77, %dma_wait3A_78] : memref<10000x128xf32, #tpu.memory_space<hbm>> -> memref<10000x128xf32, #tpu.memory_space<hbm>>
    tpu.wait_indirect_dma semaphore(%arg12 : memref<!tpu.dma_semaphore, #tpu.memory_space<semaphore_mem>>) src(%dma_wait3A_79 : memref<10000x128xf32, #tpu.memory_space<hbm>>) dst(%arg9 : memref<80x128xf32, #tpu.memory_space<vmem>>)
    %dma_start3A_80 = arith.constant 1 : i32
    %dma_start3A_81 = arith.constant 0 : i32
    %dma_start3A_82 = tpu.memref_slice %arg6[%dma_start3A_80, %dma_start3A_81] : memref<2x80xi32, #tpu.memory_space<vmem>> -> memref<1x80xi32, #tpu.memory_space<vmem>>
    %dma_start3A_83 = tpu.memref_squeeze %dma_start3A_82 : memref<1x80xi32, #tpu.memory_space<vmem>> -> memref<80xi32, #tpu.memory_space<vmem>>
    %dma_start3A_84 = arith.constant 0 : i32
    %dma_start3A_85 = arith.constant 0 : i32
    %dma_start3A_86 = tpu.memref_slice %arg5[%dma_start3A_84, %dma_start3A_85] : memref<10240x128xf32, #tpu.memory_space<vmem_shared>> -> memref<10240x128xf32, #tpu.memory_space<vmem_shared>>
    tpu.enqueue_indirect_dma source(%arg9 : memref<80x128xf32, #tpu.memory_space<vmem>>) target(%dma_start3A_86 : memref<10240x128xf32, #tpu.memory_space<vmem_shared>>) offsets(%dma_start3A_83 : memref<80xi32, #tpu.memory_space<vmem>>) semaphore(%arg14 : memref<!tpu.dma_semaphore, #tpu.memory_space<semaphore_mem>>) {add = true}
    %dma_wait3A_87 = arith.constant 1 : i32
    %dma_wait3A_88 = arith.constant 0 : i32
    %dma_wait3A_89 = tpu.memref_slice %arg8[%dma_wait3A_87, %dma_wait3A_88] : memref<2x80xi32, #tpu.memory_space<vmem>> -> memref<1x80xi32, #tpu.memory_space<vmem>>
    %dma_wait3A_90 = tpu.memref_squeeze %dma_wait3A_89 : memref<1x80xi32, #tpu.memory_space<vmem>> -> memref<80xi32, #tpu.memory_space<vmem>>
    %dma_wait3A_91 = arith.constant 0 : i32
    %dma_wait3A_92 = arith.constant 0 : i32
    %dma_wait3A_93 = tpu.memref_slice %arg5[%dma_wait3A_91, %dma_wait3A_92] : memref<10240x128xf32, #tpu.memory_space<vmem_shared>> -> memref<10240x128xf32, #tpu.memory_space<vmem_shared>>
    tpu.wait_indirect_dma semaphore(%arg15 : memref<!tpu.dma_semaphore, #tpu.memory_space<semaphore_mem>>) src(%arg11 : memref<80x128xf32, #tpu.memory_space<vmem>>) dst(%dma_wait3A_93 : memref<10240x128xf32, #tpu.memory_space<vmem_shared>>)
    %add3A_94 = arith.constant 122 : i32
    %add3A_95 = arith.addi %mul3A_12, %add3A_94 : i32
    %dma_start3A_96 = arith.constant 0 : i32
    %dma_start3A_97 = arith.constant 0 : i32
    %dma_start3A_98 = tpu.memref_slice %arg3[%add3A_95, %dma_start3A_96, %dma_start3A_97] : memref<4000x2x80xi32, #tpu.memory_space<hbm>> -> memref<1x2x80xi32, #tpu.memory_space<hbm>>
    %dma_start3A_99 = tpu.memref_squeeze %dma_start3A_98 : memref<1x2x80xi32, #tpu.memory_space<hbm>> -> memref<2x80xi32, #tpu.memory_space<hbm>>
    %dma_start3A_100 = arith.constant 0 : i32
    %dma_start3A_101 = arith.constant 0 : i32
    %dma_start3A_102 = tpu.memref_slice %arg3[%add3A_95, %dma_start3A_100, %dma_start3A_101] : memref<4000x2x80xi32, #tpu.memory_space<hbm>> -> memref<1x2x80xi32, #tpu.memory_space<hbm>>
    %dma_start3A_103 = tpu.memref_squeeze %dma_start3A_102 : memref<1x2x80xi32, #tpu.memory_space<hbm>> -> memref<2x80xi32, #tpu.memory_space<hbm>>
    tpu.enqueue_dma source(%dma_start3A_103 : memref<2x80xi32, #tpu.memory_space<hbm>>) target(%arg8 : memref<2x80xi32, #tpu.memory_space<vmem>>) target_semaphore(%arg12 : memref<!tpu.dma_semaphore, #tpu.memory_space<semaphore_mem>>)
    %dma_wait3A_104 = arith.constant 0 : i32
    %dma_wait3A_105 = arith.constant 0 : i32
    %dma_wait3A_106 = tpu.memref_slice %arg3[%add3A_95, %dma_wait3A_104, %dma_wait3A_105] : memref<4000x2x80xi32, #tpu.memory_space<hbm>> -> memref<1x2x80xi32, #tpu.memory_space<hbm>>
    %dma_wait3A_107 = tpu.memref_squeeze %dma_wait3A_106 : memref<1x2x80xi32, #tpu.memory_space<hbm>> -> memref<2x80xi32, #tpu.memory_space<hbm>>
    %dma_wait3A_108 = arith.constant 0 : i32
    %dma_wait3A_109 = arith.constant 0 : i32
    %dma_wait3A_110 = tpu.memref_slice %arg3[%add3A_95, %dma_wait3A_108, %dma_wait3A_109] : memref<4000x2x80xi32, #tpu.memory_space<hbm>> -> memref<1x2x80xi32, #tpu.memory_space<hbm>>
    %dma_wait3A_111 = tpu.memref_squeeze %dma_wait3A_110 : memref<1x2x80xi32, #tpu.memory_space<hbm>> -> memref<2x80xi32, #tpu.memory_space<hbm>>
    tpu.wait_dma2 semaphore(%arg12 : memref<!tpu.dma_semaphore, #tpu.memory_space<semaphore_mem>>) src(%dma_wait3A_111 : memref<2x80xi32, #tpu.memory_space<hbm>>) dst(%arg8 : memref<2x80xi32, #tpu.memory_space<vmem>>)
    %dma_start3A_112 = arith.constant 0 : i32
    %dma_start3A_113 = arith.constant 0 : i32
    %dma_start3A_114 = tpu.memref_slice %arg8[%dma_start3A_112, %dma_start3A_113] : memref<2x80xi32, #tpu.memory_space<vmem>> -> memref<1x80xi32, #tpu.memory_space<vmem>>
    %dma_start3A_115 = tpu.memref_squeeze %dma_start3A_114 : memref<1x80xi32, #tpu.memory_space<vmem>> -> memref<80xi32, #tpu.memory_space<vmem>>
    %dma_start3A_116 = arith.constant 0 : i32
    %dma_start3A_117 = arith.constant 0 : i32
    %dma_start3A_118 = tpu.memref_slice %arg2[%dma_start3A_116, %dma_start3A_117] : memref<10000x128xf32, #tpu.memory_space<hbm>> -> memref<10000x128xf32, #tpu.memory_space<hbm>>
    tpu.enqueue_indirect_dma source(%dma_start3A_118 : memref<10000x128xf32, #tpu.memory_space<hbm>>) target(%arg11 : memref<80x128xf32, #tpu.memory_space<vmem>>) offsets(%dma_start3A_115 : memref<80xi32, #tpu.memory_space<vmem>>) semaphore(%arg12 : memref<!tpu.dma_semaphore, #tpu.memory_space<semaphore_mem>>)
    %dma_wait3A_119 = arith.constant 0 : i32
    %dma_wait3A_120 = arith.constant 0 : i32
    %dma_wait3A_121 = tpu.memref_slice %arg7[%dma_wait3A_119, %dma_wait3A_120] : memref<2x80xi32, #tpu.memory_space<vmem>> -> memref<1x80xi32, #tpu.memory_space<vmem>>
    %dma_wait3A_122 = tpu.memref_squeeze %dma_wait3A_121 : memref<1x80xi32, #tpu.memory_space<vmem>> -> memref<80xi32, #tpu.memory_space<vmem>>
    %dma_wait3A_123 = arith.constant 0 : i32
    %dma_wait3A_124 = arith.constant 0 : i32
    %dma_wait3A_125 = tpu.memref_slice %arg2[%dma_wait3A_123, %dma_wait3A_124] : memref<10000x128xf32, #tpu.memory_space<hbm>> -> memref<10000x128xf32, #tpu.memory_space<hbm>>
    tpu.wait_indirect_dma semaphore(%arg13 : memref<!tpu.dma_semaphore, #tpu.memory_space<semaphore_mem>>) src(%dma_wait3A_125 : memref<10000x128xf32, #tpu.memory_space<hbm>>) dst(%arg10 : memref<80x128xf32, #tpu.memory_space<vmem>>)
    %dma_start3A_126 = arith.constant 1 : i32
    %dma_start3A_127 = arith.constant 0 : i32
    %dma_start3A_128 = tpu.memref_slice %arg7[%dma_start3A_126, %dma_start3A_127] : memref<2x80xi32, #tpu.memory_space<vmem>> -> memref<1x80xi32, #tpu.memory_space<vmem>>
    %dma_start3A_129 = tpu.memref_squeeze %dma_start3A_128 : memref<1x80xi32, #tpu.memory_space<vmem>> -> memref<80xi32, #tpu.memory_space<vmem>>
    %dma_start3A_130 = arith.constant 0 : i32
    %dma_start3A_131 = arith.constant 0 : i32
    %dma_start3A_132 = tpu.memref_slice %arg5[%dma_start3A_130, %dma_start3A_131] : memref<10240x128xf32, #tpu.memory_space<vmem_shared>> -> memref<10240x128xf32, #tpu.memory_space<vmem_shared>>
    tpu.enqueue_indirect_dma source(%arg10 : memref<80x128xf32, #tpu.memory_space<vmem>>) target(%dma_start3A_132 : memref<10240x128xf32, #tpu.memory_space<vmem_shared>>) offsets(%dma_start3A_129 : memref<80xi32, #tpu.memory_space<vmem>>) semaphore(%arg15 : memref<!tpu.dma_semaphore, #tpu.memory_space<semaphore_mem>>) {add = true}
    %dma_wait3A_133 = arith.constant 1 : i32
    %dma_wait3A_134 = arith.constant 0 : i32
    %dma_wait3A_135 = tpu.memref_slice %arg6[%dma_wait3A_133, %dma_wait3A_134] : memref<2x80xi32, #tpu.memory_space<vmem>> -> memref<1x80xi32, #tpu.memory_space<vmem>>
    %dma_wait3A_136 = tpu.memref_squeeze %dma_wait3A_135 : memref<1x80xi32, #tpu.memory_space<vmem>> -> memref<80xi32, #tpu.memory_space<vmem>>
    %dma_wait3A_137 = arith.constant 0 : i32
    %dma_wait3A_138 = arith.constant 0 : i32
    %dma_wait3A_139 = tpu.memref_slice %arg5[%dma_wait3A_137, %dma_wait3A_138] : memref<10240x128xf32, #tpu.memory_space<vmem_shared>> -> memref<10240x128xf32, #tpu.memory_space<vmem_shared>>
    tpu.wait_indirect_dma semaphore(%arg14 : memref<!tpu.dma_semaphore, #tpu.memory_space<semaphore_mem>>) src(%arg9 : memref<80x128xf32, #tpu.memory_space<vmem>>) dst(%dma_wait3A_139 : memref<10240x128xf32, #tpu.memory_space<vmem_shared>>)
    %add3A_140 = arith.constant 123 : i32
    %add3A_141 = arith.addi %mul3A_12, %add3A_140 : i32
    %dma_start3A_142 = arith.constant 0 : i32
    %dma_start3A_143 = arith.constant 0 : i32
    %dma_start3A_144 = tpu.memref_slice %arg3[%add3A_141, %dma_start3A_142, %dma_start3A_143] : memref<4000x2x80xi32, #tpu.memory_space<hbm>> -> memref<1x2x80xi32, #tpu.memory_space<hbm>>
    %dma_start3A_145 = tpu.memref_squeeze %dma_start3A_144 : memref<1x2x80xi32, #tpu.memory_space<hbm>> -> memref<2x80xi32, #tpu.memory_space<hbm>>
    %dma_start3A_146 = arith.constant 0 : i32
    %dma_start3A_147 = arith.constant 0 : i32
    %dma_start3A_148 = tpu.memref_slice %arg3[%add3A_141, %dma_start3A_146, %dma_start3A_147] : memref<4000x2x80xi32, #tpu.memory_space<hbm>> -> memref<1x2x80xi32, #tpu.memory_space<hbm>>
    %dma_start3A_149 = tpu.memref_squeeze %dma_start3A_148 : memref<1x2x80xi32, #tpu.memory_space<hbm>> -> memref<2x80xi32, #tpu.memory_space<hbm>>
    tpu.enqueue_dma source(%dma_start3A_149 : memref<2x80xi32, #tpu.memory_space<hbm>>) target(%arg6 : memref<2x80xi32, #tpu.memory_space<vmem>>) target_semaphore(%arg13 : memref<!tpu.dma_semaphore, #tpu.memory_space<semaphore_mem>>)
    %dma_wait3A_150 = arith.constant 0 : i32
    %dma_wait3A_151 = arith.constant 0 : i32
    %dma_wait3A_152 = tpu.memref_slice %arg3[%add3A_141, %dma_wait3A_150, %dma_wait3A_151] : memref<4000x2x80xi32, #tpu.memory_space<hbm>> -> memref<1x2x80xi32, #tpu.memory_space<hbm>>
    %dma_wait3A_153 = tpu.memref_squeeze %dma_wait3A_152 : memref<1x2x80xi32, #tpu.memory_space<hbm>> -> memref<2x80xi32, #tpu.memory_space<hbm>>
    %dma_wait3A_154 = arith.constant 0 : i32
    %dma_wait3A_155 = arith.constant 0 : i32
    %dma_wait3A_156 = tpu.memref_slice %arg3[%add3A_141, %dma_wait3A_154, %dma_wait3A_155] : memref<4000x2x80xi32, #tpu.memory_space<hbm>> -> memref<1x2x80xi32, #tpu.memory_space<hbm>>
    %dma_wait3A_157 = tpu.memref_squeeze %dma_wait3A_156 : memref<1x2x80xi32, #tpu.memory_space<hbm>> -> memref<2x80xi32, #tpu.memory_space<hbm>>
    tpu.wait_dma2 semaphore(%arg13 : memref<!tpu.dma_semaphore, #tpu.memory_space<semaphore_mem>>) src(%dma_wait3A_157 : memref<2x80xi32, #tpu.memory_space<hbm>>) dst(%arg6 : memref<2x80xi32, #tpu.memory_space<vmem>>)
    %dma_start3A_158 = arith.constant 0 : i32
    %dma_start3A_159 = arith.constant 0 : i32
    %dma_start3A_160 = tpu.memref_slice %arg6[%dma_start3A_158, %dma_start3A_159] : memref<2x80xi32, #tpu.memory_space<vmem>> -> memref<1x80xi32, #tpu.memory_space<vmem>>
    %dma_start3A_161 = tpu.memref_squeeze %dma_start3A_160 : memref<1x80xi32, #tpu.memory_space<vmem>> -> memref<80xi32, #tpu.memory_space<vmem>>
    %dma_start3A_162 = arith.constant 0 : i32
    %dma_start3A_163 = arith.constant 0 : i32
    %dma_start3A_164 = tpu.memref_slice %arg2[%dma_start3A_162, %dma_start3A_163] : memref<10000x128xf32, #tpu.memory_space<hbm>> -> memref<10000x128xf32, #tpu.memory_space<hbm>>
    tpu.enqueue_indirect_dma source(%dma_start3A_164 : memref<10000x128xf32, #tpu.memory_space<hbm>>) target(%arg9 : memref<80x128xf32, #tpu.memory_space<vmem>>) offsets(%dma_start3A_161 : memref<80xi32, #tpu.memory_space<vmem>>) semaphore(%arg13 : memref<!tpu.dma_semaphore, #tpu.memory_space<semaphore_mem>>)
    %dma_wait3A_165 = arith.constant 0 : i32
    %dma_wait3A_166 = arith.constant 0 : i32
    %dma_wait3A_167 = tpu.memref_slice %arg8[%dma_wait3A_165, %dma_wait3A_166] : memref<2x80xi32, #tpu.memory_space<vmem>> -> memref<1x80xi32, #tpu.memory_space<vmem>>
    %dma_wait3A_168 = tpu.memref_squeeze %dma_wait3A_167 : memref<1x80xi32, #tpu.memory_space<vmem>> -> memref<80xi32, #tpu.memory_space<vmem>>
    %dma_wait3A_169 = arith.constant 0 : i32
    %dma_wait3A_170 = arith.constant 0 : i32
    %dma_wait3A_171 = tpu.memref_slice %arg2[%dma_wait3A_169, %dma_wait3A_170] : memref<10000x128xf32, #tpu.memory_space<hbm>> -> memref<10000x128xf32, #tpu.memory_space<hbm>>
    tpu.wait_indirect_dma semaphore(%arg12 : memref<!tpu.dma_semaphore, #tpu.memory_space<semaphore_mem>>) src(%dma_wait3A_171 : memref<10000x128xf32, #tpu.memory_space<hbm>>) dst(%arg11 : memref<80x128xf32, #tpu.memory_space<vmem>>)
    %dma_start3A_172 = arith.constant 1 : i32
    %dma_start3A_173 = arith.constant 0 : i32
    %dma_start3A_174 = tpu.memref_slice %arg8[%dma_start3A_172, %dma_start3A_173] : memref<2x80xi32, #tpu.memory_space<vmem>> -> memref<1x80xi32, #tpu.memory_space<vmem>>
    %dma_start3A_175 = tpu.memref_squeeze %dma_start3A_174 : memref<1x80xi32, #tpu.memory_space<vmem>> -> memref<80xi32, #tpu.memory_space<vmem>>
    %dma_start3A_176 = arith.constant 0 : i32
    %dma_start3A_177 = arith.constant 0 : i32
    %dma_start3A_178 = tpu.memref_slice %arg5[%dma_start3A_176, %dma_start3A_177] : memref<10240x128xf32, #tpu.memory_space<vmem_shared>> -> memref<10240x128xf32, #tpu.memory_space<vmem_shared>>
    tpu.enqueue_indirect_dma source(%arg11 : memref<80x128xf32, #tpu.memory_space<vmem>>) target(%dma_start3A_178 : memref<10240x128xf32, #tpu.memory_space<vmem_shared>>) offsets(%dma_start3A_175 : memref<80xi32, #tpu.memory_space<vmem>>) semaphore(%arg14 : memref<!tpu.dma_semaphore, #tpu.memory_space<semaphore_mem>>) {add = true}
    %dma_wait3A_179 = arith.constant 1 : i32
    %dma_wait3A_180 = arith.constant 0 : i32
    %dma_wait3A_181 = tpu.memref_slice %arg7[%dma_wait3A_179, %dma_wait3A_180] : memref<2x80xi32, #tpu.memory_space<vmem>> -> memref<1x80xi32, #tpu.memory_space<vmem>>
    %dma_wait3A_182 = tpu.memref_squeeze %dma_wait3A_181 : memref<1x80xi32, #tpu.memory_space<vmem>> -> memref<80xi32, #tpu.memory_space<vmem>>
    %dma_wait3A_183 = arith.constant 0 : i32
    %dma_wait3A_184 = arith.constant 0 : i32
    %dma_wait3A_185 = tpu.memref_slice %arg5[%dma_wait3A_183, %dma_wait3A_184] : memref<10240x128xf32, #tpu.memory_space<vmem_shared>> -> memref<10240x128xf32, #tpu.memory_space<vmem_shared>>
    tpu.wait_indirect_dma semaphore(%arg15 : memref<!tpu.dma_semaphore, #tpu.memory_space<semaphore_mem>>) src(%arg10 : memref<80x128xf32, #tpu.memory_space<vmem>>) dst(%dma_wait3A_185 : memref<10240x128xf32, #tpu.memory_space<vmem_shared>>)
    %add3A_186 = arith.constant 124 : i32
    %add3A_187 = arith.addi %mul3A_12, %add3A_186 : i32
    %dma_start3A_188 = arith.constant 0 : i32
    %dma_start3A_189 = arith.constant 0 : i32
    %dma_start3A_190 = tpu.memref_slice %arg3[%add3A_187, %dma_start3A_188, %dma_start3A_189] : memref<4000x2x80xi32, #tpu.memory_space<hbm>> -> memref<1x2x80xi32, #tpu.memory_space<hbm>>
    %dma_start3A_191 = tpu.memref_squeeze %dma_start3A_190 : memref<1x2x80xi32, #tpu.memory_space<hbm>> -> memref<2x80xi32, #tpu.memory_space<hbm>>
    %dma_start3A_192 = arith.constant 0 : i32
    %dma_start3A_193 = arith.constant 0 : i32
    %dma_start3A_194 = tpu.memref_slice %arg3[%add3A_187, %dma_start3A_192, %dma_start3A_193] : memref<4000x2x80xi32, #tpu.memory_space<hbm>> -> memref<1x2x80xi32, #tpu.memory_space<hbm>>
    %dma_start3A_195 = tpu.memref_squeeze %dma_start3A_194 : memref<1x2x80xi32, #tpu.memory_space<hbm>> -> memref<2x80xi32, #tpu.memory_space<hbm>>
    tpu.enqueue_dma source(%dma_start3A_195 : memref<2x80xi32, #tpu.memory_space<hbm>>) target(%arg7 : memref<2x80xi32, #tpu.memory_space<vmem>>) target_semaphore(%arg12 : memref<!tpu.dma_semaphore, #tpu.memory_space<semaphore_mem>>)
    %dma_wait3A_196 = arith.constant 0 : i32
    %dma_wait3A_197 = arith.constant 0 : i32
    %dma_wait3A_198 = tpu.memref_slice %arg3[%add3A_187, %dma_wait3A_196, %dma_wait3A_197] : memref<4000x2x80xi32, #tpu.memory_space<hbm>> -> memref<1x2x80xi32, #tpu.memory_space<hbm>>
    %dma_wait3A_199 = tpu.memref_squeeze %dma_wait3A_198 : memref<1x2x80xi32, #tpu.memory_space<hbm>> -> memref<2x80xi32, #tpu.memory_space<hbm>>
    %dma_wait3A_200 = arith.constant 0 : i32
    %dma_wait3A_201 = arith.constant 0 : i32
    %dma_wait3A_202 = tpu.memref_slice %arg3[%add3A_187, %dma_wait3A_200, %dma_wait3A_201] : memref<4000x2x80xi32, #tpu.memory_space<hbm>> -> memref<1x2x80xi32, #tpu.memory_space<hbm>>
    %dma_wait3A_203 = tpu.memref_squeeze %dma_wait3A_202 : memref<1x2x80xi32, #tpu.memory_space<hbm>> -> memref<2x80xi32, #tpu.memory_space<hbm>>
    tpu.wait_dma2 semaphore(%arg12 : memref<!tpu.dma_semaphore, #tpu.memory_space<semaphore_mem>>) src(%dma_wait3A_203 : memref<2x80xi32, #tpu.memory_space<hbm>>) dst(%arg7 : memref<2x80xi32, #tpu.memory_space<vmem>>)
    %dma_start3A_204 = arith.constant 0 : i32
    %dma_start3A_205 = arith.constant 0 : i32
    %dma_start3A_206 = tpu.memref_slice %arg7[%dma_start3A_204, %dma_start3A_205] : memref<2x80xi32, #tpu.memory_space<vmem>> -> memref<1x80xi32, #tpu.memory_space<vmem>>
    %dma_start3A_207 = tpu.memref_squeeze %dma_start3A_206 : memref<1x80xi32, #tpu.memory_space<vmem>> -> memref<80xi32, #tpu.memory_space<vmem>>
    %dma_start3A_208 = arith.constant 0 : i32
    %dma_start3A_209 = arith.constant 0 : i32
    %dma_start3A_210 = tpu.memref_slice %arg2[%dma_start3A_208, %dma_start3A_209] : memref<10000x128xf32, #tpu.memory_space<hbm>> -> memref<10000x128xf32, #tpu.memory_space<hbm>>
    tpu.enqueue_indirect_dma source(%dma_start3A_210 : memref<10000x128xf32, #tpu.memory_space<hbm>>) target(%arg10 : memref<80x128xf32, #tpu.memory_space<vmem>>) offsets(%dma_start3A_207 : memref<80xi32, #tpu.memory_space<vmem>>) semaphore(%arg12 : memref<!tpu.dma_semaphore, #tpu.memory_space<semaphore_mem>>)
    %dma_wait3A_211 = arith.constant 0 : i32
    %dma_wait3A_212 = arith.constant 0 : i32
    %dma_wait3A_213 = tpu.memref_slice %arg6[%dma_wait3A_211, %dma_wait3A_212] : memref<2x80xi32, #tpu.memory_space<vmem>> -> memref<1x80xi32, #tpu.memory_space<vmem>>
    %dma_wait3A_214 = tpu.memref_squeeze %dma_wait3A_213 : memref<1x80xi32, #tpu.memory_space<vmem>> -> memref<80xi32, #tpu.memory_space<vmem>>
    %dma_wait3A_215 = arith.constant 0 : i32
    %dma_wait3A_216 = arith.constant 0 : i32
    %dma_wait3A_217 = tpu.memref_slice %arg2[%dma_wait3A_215, %dma_wait3A_216] : memref<10000x128xf32, #tpu.memory_space<hbm>> -> memref<10000x128xf32, #tpu.memory_space<hbm>>
    tpu.wait_indirect_dma semaphore(%arg13 : memref<!tpu.dma_semaphore, #tpu.memory_space<semaphore_mem>>) src(%dma_wait3A_217 : memref<10000x128xf32, #tpu.memory_space<hbm>>) dst(%arg9 : memref<80x128xf32, #tpu.memory_space<vmem>>)
    %dma_start3A_218 = arith.constant 1 : i32
    %dma_start3A_219 = arith.constant 0 : i32
    %dma_start3A_220 = tpu.memref_slice %arg6[%dma_start3A_218, %dma_start3A_219] : memref<2x80xi32, #tpu.memory_space<vmem>> -> memref<1x80xi32, #tpu.memory_space<vmem>>
    %dma_start3A_221 = tpu.memref_squeeze %dma_start3A_220 : memref<1x80xi32, #tpu.memory_space<vmem>> -> memref<80xi32, #tpu.memory_space<vmem>>
    %dma_start3A_222 = arith.constant 0 : i32
    %dma_start3A_223 = arith.constant 0 : i32
    %dma_start3A_224 = tpu.memref_slice %arg5[%dma_start3A_222, %dma_start3A_223] : memref<10240x128xf32, #tpu.memory_space<vmem_shared>> -> memref<10240x128xf32, #tpu.memory_space<vmem_shared>>
    tpu.enqueue_indirect_dma source(%arg9 : memref<80x128xf32, #tpu.memory_space<vmem>>) target(%dma_start3A_224 : memref<10240x128xf32, #tpu.memory_space<vmem_shared>>) offsets(%dma_start3A_221 : memref<80xi32, #tpu.memory_space<vmem>>) semaphore(%arg15 : memref<!tpu.dma_semaphore, #tpu.memory_space<semaphore_mem>>) {add = true}
    %dma_wait3A_225 = arith.constant 0 : i32
    %dma_wait3A_226 = arith.constant 0 : i32
    %dma_wait3A_227 = tpu.memref_slice %arg7[%dma_wait3A_225, %dma_wait3A_226] : memref<2x80xi32, #tpu.memory_space<vmem>> -> memref<1x80xi32, #tpu.memory_space<vmem>>
    %dma_wait3A_228 = tpu.memref_squeeze %dma_wait3A_227 : memref<1x80xi32, #tpu.memory_space<vmem>> -> memref<80xi32, #tpu.memory_space<vmem>>
    %dma_wait3A_229 = arith.constant 0 : i32
    %dma_wait3A_230 = arith.constant 0 : i32
    %dma_wait3A_231 = tpu.memref_slice %arg2[%dma_wait3A_229, %dma_wait3A_230] : memref<10000x128xf32, #tpu.memory_space<hbm>> -> memref<10000x128xf32, #tpu.memory_space<hbm>>
    tpu.wait_indirect_dma semaphore(%arg12 : memref<!tpu.dma_semaphore, #tpu.memory_space<semaphore_mem>>) src(%dma_wait3A_231 : memref<10000x128xf32, #tpu.memory_space<hbm>>) dst(%arg10 : memref<80x128xf32, #tpu.memory_space<vmem>>)
    %dma_start3A_232 = arith.constant 1 : i32
    %dma_start3A_233 = arith.constant 0 : i32
    %dma_start3A_234 = tpu.memref_slice %arg7[%dma_start3A_232, %dma_start3A_233] : memref<2x80xi32, #tpu.memory_space<vmem>> -> memref<1x80xi32, #tpu.memory_space<vmem>>
    %dma_start3A_235 = tpu.memref_squeeze %dma_start3A_234 : memref<1x80xi32, #tpu.memory_space<vmem>> -> memref<80xi32, #tpu.memory_space<vmem>>
    %dma_start3A_236 = arith.constant 0 : i32
    %dma_start3A_237 = arith.constant 0 : i32
    %dma_start3A_238 = tpu.memref_slice %arg5[%dma_start3A_236, %dma_start3A_237] : memref<10240x128xf32, #tpu.memory_space<vmem_shared>> -> memref<10240x128xf32, #tpu.memory_space<vmem_shared>>
    tpu.enqueue_indirect_dma source(%arg10 : memref<80x128xf32, #tpu.memory_space<vmem>>) target(%dma_start3A_238 : memref<10240x128xf32, #tpu.memory_space<vmem_shared>>) offsets(%dma_start3A_235 : memref<80xi32, #tpu.memory_space<vmem>>) semaphore(%arg14 : memref<!tpu.dma_semaphore, #tpu.memory_space<semaphore_mem>>) {add = true}
    %dma_wait3A_239 = arith.constant 1 : i32
    %dma_wait3A_240 = arith.constant 0 : i32
    %dma_wait3A_241 = tpu.memref_slice %arg8[%dma_wait3A_239, %dma_wait3A_240] : memref<2x80xi32, #tpu.memory_space<vmem>> -> memref<1x80xi32, #tpu.memory_space<vmem>>
    %dma_wait3A_242 = tpu.memref_squeeze %dma_wait3A_241 : memref<1x80xi32, #tpu.memory_space<vmem>> -> memref<80xi32, #tpu.memory_space<vmem>>
    %dma_wait3A_243 = arith.constant 0 : i32
    %dma_wait3A_244 = arith.constant 0 : i32
    %dma_wait3A_245 = tpu.memref_slice %arg5[%dma_wait3A_243, %dma_wait3A_244] : memref<10240x128xf32, #tpu.memory_space<vmem_shared>> -> memref<10240x128xf32, #tpu.memory_space<vmem_shared>>
    tpu.wait_indirect_dma semaphore(%arg14 : memref<!tpu.dma_semaphore, #tpu.memory_space<semaphore_mem>>) src(%arg11 : memref<80x128xf32, #tpu.memory_space<vmem>>) dst(%dma_wait3A_245 : memref<10240x128xf32, #tpu.memory_space<vmem_shared>>)
    %dma_wait3A_246 = arith.constant 1 : i32
    %dma_wait3A_247 = arith.constant 0 : i32
    %dma_wait3A_248 = tpu.memref_slice %arg6[%dma_wait3A_246, %dma_wait3A_247] : memref<2x80xi32, #tpu.memory_space<vmem>> -> memref<1x80xi32, #tpu.memory_space<vmem>>
    %dma_wait3A_249 = tpu.memref_squeeze %dma_wait3A_248 : memref<1x80xi32, #tpu.memory_space<vmem>> -> memref<80xi32, #tpu.memory_space<vmem>>
    %dma_wait3A_250 = arith.constant 0 : i32
    %dma_wait3A_251 = arith.constant 0 : i32
    %dma_wait3A_252 = tpu.memref_slice %arg5[%dma_wait3A_250, %dma_wait3A_251] : memref<10240x128xf32, #tpu.memory_space<vmem_shared>> -> memref<10240x128xf32, #tpu.memory_space<vmem_shared>>
    tpu.wait_indirect_dma semaphore(%arg15 : memref<!tpu.dma_semaphore, #tpu.memory_space<semaphore_mem>>) src(%arg9 : memref<80x128xf32, #tpu.memory_space<vmem>>) dst(%dma_wait3A_252 : memref<10240x128xf32, #tpu.memory_space<vmem_shared>>)
    %dma_wait3A_253 = arith.constant 1 : i32
    %dma_wait3A_254 = arith.constant 0 : i32
    %dma_wait3A_255 = tpu.memref_slice %arg7[%dma_wait3A_253, %dma_wait3A_254] : memref<2x80xi32, #tpu.memory_space<vmem>> -> memref<1x80xi32, #tpu.memory_space<vmem>>
    %dma_wait3A_256 = tpu.memref_squeeze %dma_wait3A_255 : memref<1x80xi32, #tpu.memory_space<vmem>> -> memref<80xi32, #tpu.memory_space<vmem>>
    %dma_wait3A_257 = arith.constant 0 : i32
    %dma_wait3A_258 = arith.constant 0 : i32
    %dma_wait3A_259 = tpu.memref_slice %arg5[%dma_wait3A_257, %dma_wait3A_258] : memref<10240x128xf32, #tpu.memory_space<vmem_shared>> -> memref<10240x128xf32, #tpu.memory_space<vmem_shared>>
    tpu.wait_indirect_dma semaphore(%arg14 : memref<!tpu.dma_semaphore, #tpu.memory_space<semaphore_mem>>) src(%arg10 : memref<80x128xf32, #tpu.memory_space<vmem>>) dst(%dma_wait3A_259 : memref<10240x128xf32, #tpu.memory_space<vmem_shared>>)
    %barrier3A_260 = arith.constant 0 : index
    tpu.barrier barrier_id(%barrier3A_260)
    %mul3A_261 = arith.constant 640 : i32
    %mul3A_262 = arith.muli %arg1, %mul3A_261 : i32
    %multiple_of3A = tpu.assume_multiple %mul3A_262, 8 : i32
    %dma_start3A_263 = arith.constant 0 : i32
    %dma_start3A_264 = tpu.memref_slice %arg4[%arg0, %multiple_of3A, %dma_start3A_263] : memref<2x10240x128xf32, #tpu.memory_space<hbm>> -> memref<1x640x128xf32, #tpu.memory_space<hbm>>
    %dma_start3A_265 = tpu.memref_squeeze %dma_start3A_264 : memref<1x640x128xf32, #tpu.memory_space<hbm>> -> memref<640x128xf32, #tpu.memory_space<hbm>>
    %dma_start3A_266 = arith.constant 0 : i32
    %dma_start3A_267 = tpu.memref_slice %arg5[%multiple_of3A, %dma_start3A_266] : memref<10240x128xf32, #tpu.memory_space<vmem_shared>> -> memref<640x128xf32, #tpu.memory_space<vmem_shared>>
    tpu.enqueue_dma source(%dma_start3A_267 : memref<640x128xf32, #tpu.memory_space<vmem_shared>>) target(%dma_start3A_265 : memref<640x128xf32, #tpu.memory_space<hbm>>) target_semaphore(%arg14 : memref<!tpu.dma_semaphore, #tpu.memory_space<semaphore_mem>>)
    %dma_wait3A_268 = arith.constant 0 : i32
    %dma_wait3A_269 = tpu.memref_slice %arg4[%arg0, %multiple_of3A, %dma_wait3A_268] : memref<2x10240x128xf32, #tpu.memory_space<hbm>> -> memref<1x640x128xf32, #tpu.memory_space<hbm>>
    %dma_wait3A_270 = tpu.memref_squeeze %dma_wait3A_269 : memref<1x640x128xf32, #tpu.memory_space<hbm>> -> memref<640x128xf32, #tpu.memory_space<hbm>>
    %dma_wait3A_271 = arith.constant 0 : i32
    %dma_wait3A_272 = tpu.memref_slice %arg5[%multiple_of3A, %dma_wait3A_271] : memref<10240x128xf32, #tpu.memory_space<vmem_shared>> -> memref<640x128xf32, #tpu.memory_space<vmem_shared>>
    tpu.wait_dma2 semaphore(%arg14 : memref<!tpu.dma_semaphore, #tpu.memory_space<semaphore_mem>>) src(%dma_wait3A_272 : memref<640x128xf32, #tpu.memory_space<vmem_shared>>) dst(%dma_wait3A_270 : memref<640x128xf32, #tpu.memory_space<hbm>>)
    return
  }
}

module attributes {stable_mosaic.version = 14 : i64} {
  func.func @_cnt_body(%arg0: i32, %arg1: memref<2000x1xi32, #tpu.memory_space<vmem>>, %arg2: memref<80x128xf32, #tpu.memory_space<vmem>>) attributes {dimension_semantics = [#tpu.dimension_semantics<arbitrary>], iteration_bounds = array<i64: 160>, scalar_prefetch = 0 : i64, scratch_operands = 0 : i64, tpu.core_type = #tpu.core_type<tc>, window_params = [{transform_indices = @transform_0, window_bounds = array<i64: 2000, 1>}, {pipeline_mode = #tpu.pipeline_mode<synchronous>, transform_indices = @transform_1, window_bounds = array<i64: 80, 128>}]} {
    %eq3A = arith.constant 0 : i32
    %eq3A_0 = arith.cmpi eq, %arg0, %eq3A : i32
    %convert_element_type3A = arith.extui %eq3A_0 : i1 to i32
    %cond3A = arith.constant 0 : i32
    %cond3A_1 = arith.cmpi ne, %convert_element_type3A, %cond3A : i32
    scf.if %cond3A_1 {
      %broadcast_in_dim3A = arith.constant 0.000000e+00 : f32
      %broadcast_in_dim3A_47 = vector.broadcast %broadcast_in_dim3A : f32 to vector<80x128xf32>
      %swap3A_48 = arith.constant 0 : index
      %swap3A_49 = arith.constant 0 : index
      %swap3A_50 = vector.load %arg2[%swap3A_48, %swap3A_49] : memref<80x128xf32, #tpu.memory_space<vmem>>, vector<80x128xf32>
      tpu.vector_store %arg2[%swap3A_48, %swap3A_49], %broadcast_in_dim3A_47 {strides = array<i32>} : memref<80x128xf32, #tpu.memory_space<vmem>>, vector<80x128xf32>,
    } else {
    }
    %get3A = arith.constant 0 : index
    %get3A_2 = arith.constant 0 : index
    %get3A_3 = vector.load %arg1[%get3A, %get3A_2] : memref<2000x1xi32, #tpu.memory_space<vmem>>, vector<2000x1xi32>
    %jit3A = arith.constant 128 : i32
    %div3A = vector.broadcast %jit3A : i32 to vector<2000x1xi32>
    %div3A_4 = arith.divsi %get3A_3, %div3A : vector<2000x1xi32>
    %sign3A = arith.constant 0 : i32
    %sign3A_5 = vector.broadcast %sign3A : i32 to vector<2000x1xi32>
    %sign3A_6 = arith.cmpi sgt, %get3A_3, %sign3A_5 : vector<2000x1xi32>
    %sign3A_7 = arith.extui %sign3A_6 : vector<2000x1xi1> to vector<2000x1xi32>
    %sign3A_8 = arith.constant 0 : i32
    %sign3A_9 = vector.broadcast %sign3A_8 : i32 to vector<2000x1xi32>
    %sign3A_10 = arith.cmpi slt, %get3A_3, %sign3A_9 : vector<2000x1xi32>
    %sign3A_11 = arith.extui %sign3A_10 : vector<2000x1xi1> to vector<2000x1xi32>
    %sign3A_12 = arith.subi %sign3A_7, %sign3A_11 : vector<2000x1xi32>
    %sign3A_13 = arith.constant 0 : i32
    %sign3A_14 = arith.cmpi sgt, %jit3A, %sign3A_13 : i32
    %sign3A_15 = arith.extui %sign3A_14 : i1 to i32
    %sign3A_16 = arith.constant 0 : i32
    %sign3A_17 = arith.cmpi slt, %jit3A, %sign3A_16 : i32
    %sign3A_18 = arith.extui %sign3A_17 : i1 to i32
    %sign3A_19 = arith.subi %sign3A_15, %sign3A_18 : i32
    %ne3A = vector.broadcast %sign3A_19 : i32 to vector<2000x1xi32>
    %ne3A_20 = arith.cmpi ne, %sign3A_12, %ne3A : vector<2000x1xi32>
    %rem3A = vector.broadcast %jit3A : i32 to vector<2000x1xi32>
    %rem3A_21 = arith.remsi %get3A_3, %rem3A : vector<2000x1xi32>
    %ne3A_22 = arith.constant 0 : i32
    %ne3A_23 = vector.broadcast %ne3A_22 : i32 to vector<2000x1xi32>
    %ne3A_24 = arith.cmpi ne, %rem3A_21, %ne3A_23 : vector<2000x1xi32>
    %and3A = arith.andi %ne3A_20, %ne3A_24 : vector<2000x1xi1>
    %sub3A = arith.constant 1 : i32
    %sub3A_25 = vector.broadcast %sub3A : i32 to vector<2000x1xi32>
    %sub3A_26 = arith.subi %div3A_4, %sub3A_25 : vector<2000x1xi32>
    %select_n3A = arith.select %and3A, %sub3A_26, %div3A_4 : vector<2000x1xi1>, vector<2000x1xi32>
    %mul3A = arith.constant 128 : i32
    %mul3A_27 = vector.broadcast %mul3A : i32 to vector<2000x1xi32>
    %mul3A_28 = arith.muli %select_n3A, %mul3A_27 : vector<2000x1xi32>
    %sub3A_29 = arith.subi %get3A_3, %mul3A_28 : vector<2000x1xi32>
    %iota3A = tpu.iota {dimensions = array<i32: 1>} : vector<2000x80xi32>
    %eq3A_30 = vector.broadcast %select_n3A : vector<2000x1xi32> to vector<2000x80xi32>
    %eq3A_31 = arith.cmpi eq, %eq3A_30, %iota3A : vector<2000x80xi32>
    %convert_element_type3A_32 = arith.extui %eq3A_31 : vector<2000x80xi1> to vector<2000x80xi32>
    %convert_element_type3A_33 = arith.sitofp %convert_element_type3A_32 : vector<2000x80xi32> to vector<2000x80xf32>
    %convert_element_type3A_34 = arith.truncf %convert_element_type3A_33 : vector<2000x80xf32> to vector<2000x80xbf16>
    %iota3A_35 = tpu.iota {dimensions = array<i32: 1>} : vector<2000x128xi32>
    %eq3A_36 = vector.broadcast %sub3A_29 : vector<2000x1xi32> to vector<2000x128xi32>
    %eq3A_37 = arith.cmpi eq, %eq3A_36, %iota3A_35 : vector<2000x128xi32>
    %convert_element_type3A_38 = arith.extui %eq3A_37 : vector<2000x128xi1> to vector<2000x128xi32>
    %convert_element_type3A_39 = arith.sitofp %convert_element_type3A_38 : vector<2000x128xi32> to vector<2000x128xf32>
    %convert_element_type3A_40 = arith.truncf %convert_element_type3A_39 : vector<2000x128xf32> to vector<2000x128xbf16>
    %get3A_41 = arith.constant 0 : index
    %get3A_42 = arith.constant 0 : index
    %get3A_43 = vector.load %arg2[%get3A_41, %get3A_42] : memref<80x128xf32, #tpu.memory_space<vmem>>, vector<80x128xf32>
    %dot_general3A = arith.constant dense<0.000000e+00> : vector<80x128xf32>
    %dot_general3A_44 = tpu.matmul %convert_element_type3A_34, %convert_element_type3A_40, %dot_general3A {dimension_numbers = #tpu.dot_dimension_numbers<[0], [0], [1], [1], [0, 1, 1, 1], [], []>, transpose_lhs_hint = false} : vector<2000x80xbf16>, vector<2000x128xbf16>, vector<80x128xf32> -> vector<80x128xf32>
    %add3A = arith.addf %get3A_43, %dot_general3A_44 : vector<80x128xf32>
    %swap3A = arith.constant 0 : index
    %swap3A_45 = arith.constant 0 : index
    %swap3A_46 = vector.load %arg2[%swap3A, %swap3A_45] : memref<80x128xf32, #tpu.memory_space<vmem>>, vector<80x128xf32>
    tpu.vector_store %arg2[%swap3A, %swap3A_45], %add3A {strides = array<i32>} : memref<80x128xf32, #tpu.memory_space<vmem>>, vector<80x128xf32>,
    return
  }
  func.func @transform_0(%arg0: i32) -> (i32, i32) {
    %c0_i32 = arith.constant 0 : i32
    %c0_i32_0 = arith.constant 0 : i32
    return %arg0, %c0_i32 : i32, i32
  }
  func.func @transform_1(%arg0: i32) -> (i32, i32) {
    %c0_i32 = arith.constant 0 : i32
    %c0_i32_0 = arith.constant 0 : i32
    %c0_i32_1 = arith.constant 0 : i32
    return %c0_i32, %c0_i32_0 : i32, i32
  }
}

module attributes {stable_mosaic.version = 14 : i64} {
  func.func @_tc_body(%arg0: i32, %arg1: memref<2x2000x128xf32, #tpu.memory_space<vmem>>, %arg2: memref<2000x1xf32, #tpu.memory_space<vmem>>, %arg3: memref<2000x128xf32, #tpu.memory_space<vmem>>, %arg4: memref<2000x1xi32, #tpu.memory_space<vmem>>, %arg5: memref<10000xi32, #tpu.memory_space<smem>>, %arg6: memref<128x128xf32, #tpu.memory_space<vmem>>, %arg7: memref<128x128xf32, #tpu.memory_space<vmem>>, %arg8: memref<1x128xf32, #tpu.memory_space<vmem>>, %arg9: memref<128x2xf32, #tpu.memory_space<vmem>>, %arg10: memref<1x2xf32, #tpu.memory_space<vmem>>, %arg11: memref<64x2xf32, #tpu.memory_space<vmem>>, %arg12: memref<64x128xf32, #tpu.memory_space<vmem>>) attributes {dimension_semantics = [#tpu.dimension_semantics<arbitrary>], iteration_bounds = array<i64: 5>, scalar_prefetch = 0 : i64, scratch_operands = 1 : i64, tpu.core_type = #tpu.core_type<tc>, window_params = [{transform_indices = @transform_0, window_bounds = array<i64: 2, 2000, 128>}, {transform_indices = @transform_1, window_bounds = array<i64: 2000, 1>}, {transform_indices = @transform_2, window_bounds = array<i64: 2000, 128>}, {transform_indices = @transform_3, window_bounds = array<i64: 2000, 1>}, {transform_indices = @transform_4, window_bounds = array<i64: 10000>}, {pipeline_mode = #tpu.pipeline_mode<synchronous>, transform_indices = @transform_5, window_bounds = array<i64: 128, 128>}, {pipeline_mode = #tpu.pipeline_mode<synchronous>, transform_indices = @transform_6, window_bounds = array<i64: 128, 128>}, {pipeline_mode = #tpu.pipeline_mode<synchronous>, transform_indices = @transform_7, window_bounds = array<i64: 1, 128>}, {pipeline_mode = #tpu.pipeline_mode<synchronous>, transform_indices = @transform_8, window_bounds = array<i64: 128, 2>}, {pipeline_mode = #tpu.pipeline_mode<synchronous>, transform_indices = @transform_9, window_bounds = array<i64: 1, 2>}, {pipeline_mode = #tpu.pipeline_mode<synchronous>, transform_indices = @transform_10, window_bounds = array<i64: 64, 2>}]} {
    %eq3A = arith.constant 0 : i32
    %eq3A_0 = arith.cmpi eq, %arg0, %eq3A : i32
    %convert_element_type3A = arith.extui %eq3A_0 : i1 to i32
    %cond3A = arith.constant 0 : i32
    %cond3A_1 = arith.cmpi ne, %convert_element_type3A, %cond3A : i32
    scf.if %cond3A_1 {
      %broadcast_in_dim3A = arith.constant 0.000000e+00 : f32
      %broadcast_in_dim3A_66 = vector.broadcast %broadcast_in_dim3A : f32 to vector<64x128xf32>
      %swap3A = arith.constant 0 : index
      %swap3A_67 = arith.constant 0 : index
      %swap3A_68 = vector.load %arg12[%swap3A, %swap3A_67] : memref<64x128xf32, #tpu.memory_space<vmem>>, vector<64x128xf32>
      tpu.vector_store %arg12[%swap3A, %swap3A_67], %broadcast_in_dim3A_66 {strides = array<i32>} : memref<64x128xf32, #tpu.memory_space<vmem>>, vector<64x128xf32>,
    } else {
    }
    %get3A = arith.constant 0 : index
    %get3A_2 = arith.constant 0 : index
    %get3A_3 = arith.constant 0 : index
    %get3A_4 = vector.load %arg1[%get3A, %get3A_2, %get3A_3] : memref<2x2000x128xf32, #tpu.memory_space<vmem>>, vector<1x2000x128xf32>
    %get3A_5 = vector.shape_cast %get3A_4 : vector<1x2000x128xf32> to vector<2000x128xf32>
    %get3A_6 = arith.constant 1 : index
    %get3A_7 = arith.constant 0 : index
    %get3A_8 = arith.constant 0 : index
    %get3A_9 = vector.load %arg1[%get3A_6, %get3A_7, %get3A_8] : memref<2x2000x128xf32, #tpu.memory_space<vmem>>, vector<1x2000x128xf32>
    %get3A_10 = vector.shape_cast %get3A_9 : vector<1x2000x128xf32> to vector<2000x128xf32>
    %add3A = arith.addf %get3A_5, %get3A_10 : vector<2000x128xf32>
    %get3A_11 = arith.constant 0 : index
    %get3A_12 = arith.constant 0 : index
    %get3A_13 = vector.load %arg2[%get3A_11, %get3A_12] : memref<2000x1xf32, #tpu.memory_space<vmem>>, vector<2000x1xf32>
    %max3A = arith.constant 1.000000e+00 : f32
    %max3A_14 = vector.broadcast %max3A : f32 to vector<2000x1xf32>
    %max3A_15 = arith.maximumf %get3A_13, %max3A_14 : vector<2000x1xf32>
    %div3A = vector.broadcast %max3A_15 : vector<2000x1xf32> to vector<2000x128xf32>
    %div3A_16 = arith.divf %add3A, %div3A : vector<2000x128xf32>
    %get3A_17 = arith.constant 0 : index
    %get3A_18 = arith.constant 0 : index
    %get3A_19 = vector.load %arg6[%get3A_17, %get3A_18] : memref<128x128xf32, #tpu.memory_space<vmem>>, vector<128x128xf32>
    %dot_general3A = arith.constant dense<0.000000e+00> : vector<2000x128xf32>
    %dot_general3A_20 = tpu.matmul %div3A_16, %get3A_19, %dot_general3A {dimension_numbers = #tpu.dot_dimension_numbers<[1], [0], [0], [1], [0, 0, 1, 1], [], []>, transpose_lhs_hint = false} : vector<2000x128xf32>, vector<128x128xf32>, vector<2000x128xf32> -> vector<2000x128xf32>
    %get3A_21 = arith.constant 0 : index
    %get3A_22 = arith.constant 0 : index
    %get3A_23 = vector.load %arg3[%get3A_21, %get3A_22] : memref<2000x128xf32, #tpu.memory_space<vmem>>, vector<2000x128xf32>
    %get3A_24 = arith.constant 0 : index
    %get3A_25 = arith.constant 0 : index
    %get3A_26 = vector.load %arg7[%get3A_24, %get3A_25] : memref<128x128xf32, #tpu.memory_space<vmem>>, vector<128x128xf32>
    %dot_general3A_27 = arith.constant dense<0.000000e+00> : vector<2000x128xf32>
    %dot_general3A_28 = tpu.matmul %get3A_23, %get3A_26, %dot_general3A_27 {dimension_numbers = #tpu.dot_dimension_numbers<[1], [0], [0], [1], [0, 0, 1, 1], [], []>, transpose_lhs_hint = false} : vector<2000x128xf32>, vector<128x128xf32>, vector<2000x128xf32> -> vector<2000x128xf32>
    %add3A_29 = arith.addf %dot_general3A_20, %dot_general3A_28 : vector<2000x128xf32>
    %get3A_30 = arith.constant 0 : index
    %get3A_31 = arith.constant 0 : index
    %get3A_32 = vector.load %arg8[%get3A_30, %get3A_31] : memref<1x128xf32, #tpu.memory_space<vmem>>, vector<1x128xf32>
    %add3A_33 = vector.broadcast %get3A_32 : vector<1x128xf32> to vector<2000x128xf32>
    %add3A_34 = arith.addf %add3A_29, %add3A_33 : vector<2000x128xf32>
    %max3A_35 = arith.constant 0.000000e+00 : f32
    %max3A_36 = vector.broadcast %max3A_35 : f32 to vector<2000x128xf32>
    %max3A_37 = arith.maximumf %add3A_34, %max3A_36 : vector<2000x128xf32>
    %get3A_38 = arith.constant 0 : index
    %get3A_39 = arith.constant 0 : index
    %get3A_40 = vector.load %arg4[%get3A_38, %get3A_39] : memref<2000x1xi32, #tpu.memory_space<vmem>>, vector<2000x1xi32>
    %mul3A = arith.constant 2000 : i32
    %mul3A_41 = arith.muli %arg0, %mul3A : i32
    %get3A_42 = arith.index_cast %mul3A_41 : i32 to index
    %get3A_43 = memref.load %arg5[%get3A_42] : memref<10000xi32, #tpu.memory_space<smem>>
    %mul3A_44 = arith.constant 2000 : i32
    %mul3A_45 = arith.muli %arg0, %mul3A_44 : i32
    %add3A_46 = arith.constant 2000 : i32
    %add3A_47 = arith.addi %mul3A_45, %add3A_46 : i32
    %sub3A = arith.constant 1 : i32
    %sub3A_48 = arith.subi %add3A_47, %sub3A : i32
    %get3A_49 = arith.index_cast %sub3A_48 : i32 to index
    %get3A_50 = memref.load %arg5[%get3A_49] : memref<10000xi32, #tpu.memory_space<smem>>
    %iota3A = tpu.iota {dimensions = array<i32: 0>} : vector<64x1xi32>
    %add3A_51 = arith.constant 1 : i32
    %add3A_52 = arith.addi %get3A_50, %add3A_51 : i32
    %while3A = arith.constant 0 : i32
    %while3A_53 = arith.subi %add3A_52, %get3A_43 : i32
    %while3A_54 = arith.addi %get3A_43, %while3A_53 : i32
    %while3A_55 = arith.constant 1 : i32
    %while3A_56 = arith.divsi %while3A_53, %while3A_55 : i32
    %while3A_57 = arith.muli %while3A_56, %while3A_55 : i32
    %while3A_58 = arith.addi %get3A_43, %while3A_57 : i32
    %while3A_59 = arith.constant 1 : i32
    scf.for %while3A_66 = %get3A_43 to %while3A_58 step %while3A_59  : i32 {
      %eq3A_67 = vector.broadcast %while3A_66 : i32 to vector<2000x1xi32>
      %eq3A_68 = arith.cmpi eq, %get3A_40, %eq3A_67 : vector<2000x1xi32>
      %jit3A = arith.constant 0.000000e+00 : f32
      %broadcast_in_dim3A = vector.shape_cast %eq3A_68 : vector<2000x1xi1> to vector<2000x1xi1>
      %broadcast_in_dim3A_69 = vector.broadcast %broadcast_in_dim3A : vector<2000x1xi1> to vector<2000x128xi1>
      %broadcast_in_dim3A_70 = vector.broadcast %jit3A : f32 to vector<2000x128xf32>
      %select_n3A = arith.select %broadcast_in_dim3A_69, %max3A_37, %broadcast_in_dim3A_70 : vector<2000x128xi1>, vector<2000x128xf32>
      %reduce_max3A = arith.constant dense<0xFF800000> : vector<128xf32>
      %reduce_max3A_71 = vector.multi_reduction <maximumf>, %select_n3A, %reduce_max3A [0] : vector<2000x128xf32> to vector<128xf32>
      %broadcast_in_dim3A_72 = vector.shape_cast %reduce_max3A_71 : vector<128xf32> to vector<1x128xf32>
      %eq3A_73 = vector.broadcast %while3A_66 : i32 to vector<64x1xi32>
      %eq3A_74 = arith.cmpi eq, %iota3A, %eq3A_73 : vector<64x1xi32>
      %jit3A_75 = arith.constant 0.000000e+00 : f32
      %broadcast_in_dim3A_76 = vector.shape_cast %eq3A_74 : vector<64x1xi1> to vector<64x1xi1>
      %broadcast_in_dim3A_77 = vector.broadcast %broadcast_in_dim3A_76 : vector<64x1xi1> to vector<64x128xi1>
      %broadcast_in_dim3A_78 = vector.shape_cast %broadcast_in_dim3A_72 : vector<1x128xf32> to vector<1x128xf32>
      %broadcast_in_dim3A_79 = vector.broadcast %broadcast_in_dim3A_78 : vector<1x128xf32> to vector<64x128xf32>
      %broadcast_in_dim3A_80 = vector.broadcast %jit3A_75 : f32 to vector<64x128xf32>
      %select_n3A_81 = arith.select %broadcast_in_dim3A_77, %broadcast_in_dim3A_79, %broadcast_in_dim3A_80 : vector<64x128xi1>, vector<64x128xf32>
      %get3A_82 = arith.constant 0 : index
      %get3A_83 = arith.constant 0 : index
      %get3A_84 = vector.load %arg12[%get3A_82, %get3A_83] : memref<64x128xf32, #tpu.memory_space<vmem>>, vector<64x128xf32>
      %max3A_85 = arith.maximumf %get3A_84, %select_n3A_81 : vector<64x128xf32>
      %swap3A = arith.constant 0 : index
      %swap3A_86 = arith.constant 0 : index
      %swap3A_87 = vector.load %arg12[%swap3A, %swap3A_86] : memref<64x128xf32, #tpu.memory_space<vmem>>, vector<64x128xf32>
      tpu.vector_store %arg12[%swap3A, %swap3A_86], %max3A_85 {strides = array<i32>} : memref<64x128xf32, #tpu.memory_space<vmem>>, vector<64x128xf32>,
    }
    %while3A_60 = arith.constant 1 : i32
    scf.for %while3A_66 = %while3A_58 to %while3A_54 step %while3A_60  : i32 {
      %eq3A_67 = vector.broadcast %while3A_66 : i32 to vector<2000x1xi32>
      %eq3A_68 = arith.cmpi eq, %get3A_40, %eq3A_67 : vector<2000x1xi32>
      %jit3A = arith.constant 0.000000e+00 : f32
      %broadcast_in_dim3A = vector.shape_cast %eq3A_68 : vector<2000x1xi1> to vector<2000x1xi1>
      %broadcast_in_dim3A_69 = vector.broadcast %broadcast_in_dim3A : vector<2000x1xi1> to vector<2000x128xi1>
      %broadcast_in_dim3A_70 = vector.broadcast %jit3A : f32 to vector<2000x128xf32>
      %select_n3A = arith.select %broadcast_in_dim3A_69, %max3A_37, %broadcast_in_dim3A_70 : vector<2000x128xi1>, vector<2000x128xf32>
      %reduce_max3A = arith.constant dense<0xFF800000> : vector<128xf32>
      %reduce_max3A_71 = vector.multi_reduction <maximumf>, %select_n3A, %reduce_max3A [0] : vector<2000x128xf32> to vector<128xf32>
      %broadcast_in_dim3A_72 = vector.shape_cast %reduce_max3A_71 : vector<128xf32> to vector<1x128xf32>
      %eq3A_73 = vector.broadcast %while3A_66 : i32 to vector<64x1xi32>
      %eq3A_74 = arith.cmpi eq, %iota3A, %eq3A_73 : vector<64x1xi32>
      %jit3A_75 = arith.constant 0.000000e+00 : f32
      %broadcast_in_dim3A_76 = vector.shape_cast %eq3A_74 : vector<64x1xi1> to vector<64x1xi1>
      %broadcast_in_dim3A_77 = vector.broadcast %broadcast_in_dim3A_76 : vector<64x1xi1> to vector<64x128xi1>
      %broadcast_in_dim3A_78 = vector.shape_cast %broadcast_in_dim3A_72 : vector<1x128xf32> to vector<1x128xf32>
      %broadcast_in_dim3A_79 = vector.broadcast %broadcast_in_dim3A_78 : vector<1x128xf32> to vector<64x128xf32>
      %broadcast_in_dim3A_80 = vector.broadcast %jit3A_75 : f32 to vector<64x128xf32>
      %select_n3A_81 = arith.select %broadcast_in_dim3A_77, %broadcast_in_dim3A_79, %broadcast_in_dim3A_80 : vector<64x128xi1>, vector<64x128xf32>
      %get3A_82 = arith.constant 0 : index
      %get3A_83 = arith.constant 0 : index
      %get3A_84 = vector.load %arg12[%get3A_82, %get3A_83] : memref<64x128xf32, #tpu.memory_space<vmem>>, vector<64x128xf32>
      %max3A_85 = arith.maximumf %get3A_84, %select_n3A_81 : vector<64x128xf32>
      %swap3A = arith.constant 0 : index
      %swap3A_86 = arith.constant 0 : index
      %swap3A_87 = vector.load %arg12[%swap3A, %swap3A_86] : memref<64x128xf32, #tpu.memory_space<vmem>>, vector<64x128xf32>
      tpu.vector_store %arg12[%swap3A, %swap3A_86], %max3A_85 {strides = array<i32>} : memref<64x128xf32, #tpu.memory_space<vmem>>, vector<64x128xf32>,
    }
    %eq3A_61 = arith.constant 4 : i32
    %eq3A_62 = arith.cmpi eq, %arg0, %eq3A_61 : i32
    %convert_element_type3A_63 = arith.extui %eq3A_62 : i1 to i32
    %cond3A_64 = arith.constant 0 : i32
    %cond3A_65 = arith.cmpi ne, %convert_element_type3A_63, %cond3A_64 : i32
    scf.if %cond3A_65 {
      %get3A_66 = arith.constant 0 : index
      %get3A_67 = arith.constant 0 : index
      %get3A_68 = vector.load %arg12[%get3A_66, %get3A_67] : memref<64x128xf32, #tpu.memory_space<vmem>>, vector<64x128xf32>
      %get3A_69 = arith.constant 0 : index
      %get3A_70 = arith.constant 0 : index
      %get3A_71 = vector.load %arg9[%get3A_69, %get3A_70] : memref<128x2xf32, #tpu.memory_space<vmem>>, vector<128x2xf32>
      %dot_general3A_72 = arith.constant dense<0.000000e+00> : vector<64x2xf32>
      %dot_general3A_73 = tpu.matmul %get3A_68, %get3A_71, %dot_general3A_72 {dimension_numbers = #tpu.dot_dimension_numbers<[1], [0], [0], [1], [0, 0, 1, 1], [], []>, transpose_lhs_hint = false} : vector<64x128xf32>, vector<128x2xf32>, vector<64x2xf32> -> vector<64x2xf32>
      %get3A_74 = arith.constant 0 : index
      %get3A_75 = arith.constant 0 : index
      %get3A_76 = vector.load %arg10[%get3A_74, %get3A_75] : memref<1x2xf32, #tpu.memory_space<vmem>>, vector<1x2xf32>
      %add3A_77 = vector.broadcast %get3A_76 : vector<1x2xf32> to vector<64x2xf32>
      %add3A_78 = arith.addf %dot_general3A_73, %add3A_77 : vector<64x2xf32>
      %swap3A = arith.constant 0 : index
      %swap3A_79 = arith.constant 0 : index
      %swap3A_80 = vector.load %arg11[%swap3A, %swap3A_79] : memref<64x2xf32, #tpu.memory_space<vmem>>, vector<64x2xf32>
      tpu.vector_store %arg11[%swap3A, %swap3A_79], %add3A_78 {strides = array<i32>} : memref<64x2xf32, #tpu.memory_space<vmem>>, vector<64x2xf32>,
    } else {
    }
    return
  }
  func.func @transform_0(%arg0: i32) -> (i32, i32, i32) {
    %c0_i32 = arith.constant 0 : i32
    %c0_i32_0 = arith.constant 0 : i32
    %c0_i32_1 = arith.constant 0 : i32
    return %c0_i32, %arg0, %c0_i32_0 : i32, i32, i32
  }
  func.func @transform_1(%arg0: i32) -> (i32, i32) {
    %c0_i32 = arith.constant 0 : i32
    %c0_i32_0 = arith.constant 0 : i32
    return %arg0, %c0_i32 : i32, i32
  }
  func.func @transform_2(%arg0: i32) -> (i32, i32) {
    %c0_i32 = arith.constant 0 : i32
    %c0_i32_0 = arith.constant 0 : i32
    return %arg0, %c0_i32 : i32, i32
  }
  func.func @transform_3(%arg0: i32) -> (i32, i32) {
    %c0_i32 = arith.constant 0 : i32
    %c0_i32_0 = arith.constant 0 : i32
    return %arg0, %c0_i32 : i32, i32
  }
  func.func @transform_4(%arg0: i32) -> i32 {
    %c0_i32 = arith.constant 0 : i32
    %c0_i32_0 = arith.constant 0 : i32
    return %c0_i32 : i32
  }
  func.func @transform_5(%arg0: i32) -> (i32, i32) {
    %c0_i32 = arith.constant 0 : i32
    %c0_i32_0 = arith.constant 0 : i32
    %c0_i32_1 = arith.constant 0 : i32
    return %c0_i32, %c0_i32_0 : i32, i32
  }
  func.func @transform_6(%arg0: i32) -> (i32, i32) {
    %c0_i32 = arith.constant 0 : i32
    %c0_i32_0 = arith.constant 0 : i32
    %c0_i32_1 = arith.constant 0 : i32
    return %c0_i32, %c0_i32_0 : i32, i32
  }
  func.func @transform_7(%arg0: i32) -> (i32, i32) {
    %c0_i32 = arith.constant 0 : i32
    %c0_i32_0 = arith.constant 0 : i32
    %c0_i32_1 = arith.constant 0 : i32
    return %c0_i32, %c0_i32_0 : i32, i32
  }
  func.func @transform_8(%arg0: i32) -> (i32, i32) {
    %c0_i32 = arith.constant 0 : i32
    %c0_i32_0 = arith.constant 0 : i32
    %c0_i32_1 = arith.constant 0 : i32
    return %c0_i32, %c0_i32_0 : i32, i32
  }
  func.func @transform_9(%arg0: i32) -> (i32, i32) {
    %c0_i32 = arith.constant 0 : i32
    %c0_i32_0 = arith.constant 0 : i32
    %c0_i32_1 = arith.constant 0 : i32
    return %c0_i32, %c0_i32_0 : i32, i32
  }
  func.func @transform_10(%arg0: i32) -> (i32, i32) {
    %c0_i32 = arith.constant 0 : i32
    %c0_i32_0 = arith.constant 0 : i32
    %c0_i32_1 = arith.constant 0 : i32
    return %c0_i32, %c0_i32_0 : i32, i32
  }
}

</mosaic_0001>

<sc_bundles>
// kernel: kernel.5.cloned.1.call-start
scs
__scs_entry_jumppad:
0x0: {  	(pc) =	sbr.rel $0x88, $3  }
0x1: {  	(tag) =	ssettag $0x0;
	lr =	simm.s32 $0x1  }
0x2: {  	[smem:$0x3F99] =	sst lr;
	_ =	strace $0xD0000000  }
0x3: {  	_ = 	snop  }
0x4: {  	_ = 	snop  }
0x5: {  	_ = 	snop  }
0x6: {  	_ = 	snop  }
0x7: {  	_ = 	snop  }
__scs_overlays_trampoline_lowered:
0x8: {  	[smem:$0x3FA8] =	sst s0  }
0x9: {  	[smem:$0x3FA9] =	sst s1  }
0xa: {  	[smem:$0x3FAA] =	sst s2  }
0xb: {  	[smem:$0x3FAB] =	sst s3  }
0xc: {  	[smem:$0x3FAC] =	sst s4  }
0xd: {  	[smem:$0x3FAD] =	sst s5  }
0xe: {  	[smem:$0x3FAE] =	sst s6  }
0xf: {  	[smem:$0x3FAF] =	sst s7  }
0x10: {  	[smem:$0x3FB0] =	sst s8  }
0x11: {  	[smem:$0x3FB1] =	sst s9;
	s0 =	simm.s32 @!p0 $0x0  }
0x12: {  	s1 =	sld [smem:$0x3F97];
	s0 =	simm.s32 @p0 $0x1  }
0x13: {  	[smem:$0x3FB2] =	sst s0;
	s0 =	simm.s32 @!p1 $0x0  }
0x14: {  	s2 =	sld [smem:$0x3F96];
	s0 =	simm.s32 @p1 $0x1  }
0x15: {  	[smem:$0x3FB3] =	sst s0;
	s0 =	simm.s32 @!p2 $0x0  }
0x16: {  	s3 =	sld [smem:$0x3FDB];
	s0 =	simm.s32 @p2 $0x1  }
0x17: {  	s4 =	simm.s32 $0x1BF5;
	[smem:$0x3FB5] =	sst s0  }
0x18: {  	s0 =	sld [smem:$0x3F98];
	_ =	swait.ge [sflag:s4], $0x0  }
0x19: {  	s7 =	sld [smem:$0x3F99]  }
0x1a: {  	s8 =	sadd.s32 $0xFFFFE003, lr  }
0x1b: {  	s9 =	sadd.s32 $0xFFFFFEF7, lr;
	s5 =	simm.s32 $0xFFFFFFFF;
	p2 =	slt.u32 s8, $0xFFFFF086  }
0x1c: {  	p1 =	slt.u32 s9, $0xF7A;
	s5 =	simm.s32 @!p2 $0x0  }
0x1d: {  	s5 =	simm.s32 @p1 $0x1;
	p0 =	seq.s32 s7, s2  }
0x1e: {  	s7 =	smul.u32 @!p0 $0xF7A, s2;
	p2 =	seq.s32 @!p0 s5, $0x0  }
0x1f: {  	s9 =	smul.u32 $0xF7A, s1;
	s8 =	simm.s32 @!p0 $0x1BF5;
	p2 =	por !p2, p0  }
0x20: {  	[sflag:s8] =	ssyncset.s32 @!p0 $0xFFFFF086;
	s6 =	sadd.s32 @!p0 s3, s7;
	s7 =	simm.s32 @!p0 $0x108  }
0x21: {  	s3 =	sadd.s32 s3, s9;
	s6 =	sadd.s32 @!p0 $0x88, s6;
	s7 =	simm.s32 @p2 $0x1082  }
0x22: {  	[simem:s7], [sflag:s8] =	dma.local @!p0 [hbm:s6], $0xF7A  }
0x23: {  	s9 =	sor.u32 $0xD0000000, s2;
	s6 =	simm.s32 $0x108;
	_ =	swait.ge @!p0 [sflag:s8], $0x0  }
0x24: {  	s3 =	sadd.s32 $0x88, s3;
	s6 =	simm.s32 @!p1 $0x1082;
	[sflag:s4] =	ssyncset.s32 $0xFFFFF086  }
0x25: {  	[simem:s6], [sflag:s4] =	dma.local [hbm:s3], $0xF7A  }
0x26: {  	[smem:$0x3F99] =	sst s1;
	(tag) =	ssettag s2;
	_ =	strace s9  }
0x27: {  	s1 =	sld [smem:$0x3FA9]  }
0x28: {  	s2 =	sld [smem:$0x3FAA]  }
0x29: {  	s4 =	sld [smem:$0x3FAC]  }
0x2a: {  	p0 =	seq.s32 s5, $0x0;
	s5 =	sld [smem:$0x3FAD]  }
0x2b: {  	s6 =	sld [smem:$0x3FAE]  }
0x2c: {  	s7 =	sld [smem:$0x3FAF]  }
0x2d: {  	s3 =	simm.s32 $0x108;
	s8 =	sld [smem:$0x3FB0]  }
0x2e: {  	s3 =	simm.s32 @!p0 $0x1082;
	s9 =	sld [smem:$0x3FB1]  }
0x2f: {  	lr =	sadd.s32 s0, s3;
	s0 =	sld [smem:$0x3FA8]  }
0x30: {  	s3 =	sld [smem:$0x3FAB]  }
0x31: {  	[smem:$0x3FB4] =	sst s10  }
0x32: {  	s10 =	sld [smem:$0x3FB2];
	_ =	sdelay $0x3  }
0x33: {  	p0 =	seq.s32 s10, $0x1;
	s10 =	sld [smem:$0x3FB4];
	_ =	sdelay $0x3  }
0x34: {  	[smem:$0x3FB4] =	sst s10  }
0x35: {  	s10 =	sld [smem:$0x3FB3];
	_ =	sdelay $0x3  }
0x36: {  	p1 =	seq.s32 s10, $0x1;
	s10 =	sld [smem:$0x3FB4];
	_ =	sdelay $0x3  }
0x37: {  	[smem:$0x3FB4] =	sst s10  }
0x38: {  	s10 =	sld [smem:$0x3FB5]  }
0x39: {  	_ = 	snop;
	(pc) =	sbr.ind lr, $3  }
0x3a: {  	_ = 	snop  }
0x3b: {  	_ = 	snop  }
0x3c: {  	p2 =	seq.s32 s10, $0x1;
	s10 =	sld [smem:$0x3FB4]  }
0x3d: {  	_ =	shalt  }
0x3e: {  	_ =	shalt  }
0x3f: {  	_ =	shalt  }
0x40: {  	_ =	shalt  }
0x41: {  	_ =	shalt  }
0x42: {  	_ =	shalt  }
0x43: {  	_ =	shalt  }
0x44: {  	_ =	shalt  }
0x45: {  	_ =	shalt  }
0x46: {  	_ =	shalt  }
0x47: {  	_ =	shalt  }
0x48: {  	_ =	shalt  }
0x49: {  	_ =	shalt  }
0x4a: {  	_ =	shalt  }
0x4b: {  	_ =	shalt  }
0x4c: {  	_ =	shalt  }
0x4d: {  	_ =	shalt  }
0x4e: {  	_ =	shalt  }
0x4f: {  	_ =	shalt  }
0x50: {  	_ =	shalt  }
0x51: {  	_ =	shalt  }
0x52: {  	_ =	shalt  }
0x53: {  	_ =	shalt  }
0x54: {  	_ =	shalt  }
0x55: {  	_ =	shalt  }
0x56: {  	_ =	shalt  }
0x57: {  	_ =	shalt  }
0x58: {  	_ =	shalt  }
0x59: {  	_ =	shalt  }
0x5a: {  	_ =	shalt  }
0x5b: {  	_ =	shalt  }
0x5c: {  	_ =	shalt  }
0x5d: {  	_ =	shalt  }
0x5e: {  	_ =	shalt  }
0x5f: {  	_ =	shalt  }
0x60: {  	_ =	shalt  }
0x61: {  	_ =	shalt  }
0x62: {  	_ =	shalt  }
0x63: {  	_ =	shalt  }
0x64: {  	_ =	shalt  }
0x65: {  	_ =	shalt  }
0x66: {  	_ =	shalt  }
0x67: {  	_ =	shalt  }
0x68: {  	_ =	shalt  }
0x69: {  	_ =	shalt  }
0x6a: {  	_ =	shalt  }
0x6b: {  	_ =	shalt  }
0x6c: {  	_ =	shalt  }
0x6d: {  	_ =	shalt  }
0x6e: {  	_ =	shalt  }
0x6f: {  	_ =	shalt  }
0x70: {  	_ =	shalt  }
0x71: {  	_ =	shalt  }
0x72: {  	_ =	shalt  }
0x73: {  	_ =	shalt  }
0x74: {  	_ =	shalt  }
0x75: {  	_ =	shalt  }
0x76: {  	_ =	shalt  }
0x77: {  	_ =	shalt  }
0x78: {  	_ =	shalt  }
0x79: {  	_ =	shalt  }
0x7a: {  	_ =	shalt  }
0x7b: {  	_ =	shalt  }
0x7c: {  	_ =	shalt  }
0x7d: {  	_ =	shalt  }
0x7e: {  	_ =	shalt  }
0x7f: {  	_ =	shalt  }
0x80: {  	_ =	shalt  }
0x81: {  	_ =	shalt  }
0x82: {  	_ =	shalt  }
0x83: {  	_ =	shalt  }
0x84: {  	_ =	shalt  }
0x85: {  	_ =	shalt  }
0x86: {  	_ =	shalt  }
0x87: {  	_ =	shalt  }
.Lfunc_end0:
.L_simem_size_0:
called_computation_lowered:
.L_overlay_start_0:
0x88: {  	s2 =	sld [smem:$0x3FD9]  }
0x89: {  	s3 =	sld [smem:$0x3FFE];
	_ =	sdelay $0x1  }
0x8a: {  	s1 =	srdreg.scid  }
0x8b: {  	s0 =	sand.u32 $0x1, s1  }
0x8c: {  	s17 =	sshll.u32 s0, $0xA;
	s2 =	sadd.s32 s3, s2  }
0x8d: {  	s2 =	sadd.s32 s2, s17  }
0x8e: {  	[smem:$0x3FC0] =	sst s2  }
0x8f: {  	_ = 	snop  }
0x90: {  	s2 =	sld [smem:$0x3FC9];
	(tm) =	ssettm $0x1  }
0x91: {  	s18 =	sld [smem:$0x3FFB];
	_ =	sdelay $0x3  }
0x92: {  	_ =	strace s18  }
0x93: {  	s3 =	sld [smem:$0x3FFC];
	_ =	sdelay $0x3  }
0x94: {  	_ =	strace s3  }
0x95: {  	s3 =	sld [smem:$0x3FFD];
	_ =	sdelay $0x3  }
0x96: {  	_ =	strace s3  }
0x97: {  	_ =	strace $0x8FFFFFFF  }
0x98: {  	s19 =	sld [smem:$0x3FDB];
	_ =	sdelay $0x1  }
0x99: {  	s4 =	simm.s32 $_scs_section_size  }
0x9a: {  	s5 =	simm.s32 $_size__tile_overlayer_lowered;
	s6 =	simm.s32 $_tile_overlayer_lowered  }
0x9b: {  	s22 =	simm.s32 $0x1BFF;
	s21 =	sshll.u32 s6, $0x1;
	s3 =	sadd.s32 s4, s19  }
0x9c: {  	s7 =	simm.s32 $0x0;
	s20 =	sshll.u32 s5, $0x1;
	s5 =	sadd.s32 s21, s3  }
0x9d: {  	[timem:s7], [sflag:s22] =	dma.local [hbm:s5], s20  }
0x9e: {  	_ =	swait.ge [sflag:s22], s20  }
0x9f: {  	s4 =	ssub.s32 $0x0, s20;
	[sflag:s22] =	ssyncset.done $0x0  }
0xa0: {  	[sflag:s22] =	ssyncadd.s32 s4;
	_ =	sdelay $0x1  }
0xa1: {  	s23 =	simm.s32 $0x1B8B  }
0xa2: {  	_ =	swait.ge [sflag:s23], $0x1  }
0xa3: {  	[sflag:s23] =	ssyncset.done $0x0  }
0xa4: {  	s25 =	simm.s32 $0x1B8E;
	s24 =	sld [smem:$0x3FFE];
	[sflag:s23] =	ssyncadd.s32 $0xFFFFFFFF  }
0xa5: {  	s26 =	simm.s32 $execute0_lowered;
	[smem:$0x3FD2] =	sst s25  }
0xa6: {  	s5 =	sshll.u32 s26, $0x1;
	_ =	strace $0x80000046;
	[dreg:$0x1] =	wrdreg $0xFFFFFFFF  }
0xa7: {  	s28 =	simm.s32 $_size_execute0_lowered;
	s3 =	sadd.s32 s3, s5;
	[dreg:$0x0] =	wrdreg $0x0  }
0xa8: {  	s5 =	sshll.u32 s28, $0x1;
	[dreg:$0x2] =	wrdreg s3  }
0xa9: {  	[dreg:$0x3] =	wrdreg s5  }
0xaa: {  	[dreg:$0x4] =	wrdreg $0xC0  }
0xab: {  	_ =	task [dreg:s7], $0x5FFFF  }
0xac: {  	[dreg:$0x1] =	wrdreg $0xFFFFFFFF  }
0xad: {  	[dreg:$0x0] =	wrdreg $0x60  }
0xae: {  	[dreg:$0x2] =	wrdreg s2  }
0xaf: {  	[dreg:$0x3] =	wrdreg s24  }
0xb0: {  	[dreg:$0x4] =	wrdreg $0x0  }
0xb1: {  	[dreg:$0x5] =	wrdreg $0x9  }
0xb2: {  	_ =	task.clear_ibuf [dreg:s7], $0x6FFFF;
	_ =	strace $0x90000046  }
0xb3: {  	s29 =	simm.s32 $0x9;
	_ =	strace $0x80000048  }
0xb4: {  	_ =	swait.ge [sflag:s29], $0x1  }
0xb5: {  	[sflag:s29] =	ssyncadd.s32 $0xFFFFFFFF  }
0xb6: {  	_ =	strace $0x90000048  }
0xb7: {  	_ =	sfence  }
0xb8: {  	s30 =	sld [smem:$0x0];
	_ =	sdelay $0x2  }
0xb9: {  	s31 =	sshll.u32 s1, $0xD;
	s1 =	sshrl.u32 s1, $0x2  }
0xba: {  	s3 =	sand.u32 $0x4000, s31;
	s1 =	sadd.s32 s1, s30  }
0xbb: {  	s0 =	sor.u32 s3, s0;
	s1 =	sshll.u32 s1, $0x11  }
0xbc: {  	s0 =	sor.u32 s1, s0  }
0xbd: {  	s0 =	sadd.s32 $0x8F2B, s0  }
0xbe: {  	[sflag:s0] =	ssyncadd.remote.s32 $0x1  }
0xbf: {  	_ =	sfence.sel $0xFFFF  }
0xc0: {  	[dreg:$0x0] =	wrdreg $0xFFFFFFFF;
	(pc) =	sbr.abs _section_cstart, $3  }
0xc1: {  	[dreg:$0x1] =	wrdreg $0xFFFFFFFF  }
0xc2: {  	_ =	task.clear_ibuf [dreg:s7], $0x2FFFF;
	_ =	strace $0x9FFFFFFF  }
0xc3: {  	(tm) =	ssettm $0x7FFFFFFF  }
tec
execute0_lowered:
.L_overlay_start_1:
0x0: {  	(tag) =	ssettag $0x1  }
0x1: {  	s1 =	rddreg [dreg:$0x0]  }
0x2: {  	s0 =	rddreg [dreg:$0x1]  }
0x3: {  	s2 =	rddreg [dreg:$0x2];
	s3 =	srdreg.scid  }
0x4: {  	s4 =	simm.s32 $0x0;
	s11 =	stileid.u32;
	s28 =	simm.s32 $0x14000  }
0x5: {  	s29 =	simm.s32 $0x1;
	s30 =	simm.s32 $0x50;
	s6 =	smul.u32 $0x14000, s11  }
0x6: {  	s31 =	simm.s32 $0x14100;
	s3 =	sand.u32 $0x1, s3;
	s15 =	smul.u32 $0x50000, s11  }
0x7: {  	[smem:$0x7FF] =	sst s4;
	s8 =	sadd.s32 $0x1000, s0;
	s19 =	smul.u32 $0x7D, s11  }
0x8: {  	s5 =	smul.u32 $0x140000, s3;
	s7 =	sshll.u32 s3, $0x4;
	_ =	strace $0x80000047  }
0x9: {  	s12 =	ssub.s32 $0x2, s3;
	s3 =	smul.u32 $0x7D0, s3;
	s7 =	sor.u32 s11, s7  }
0xa: {  	s10 =	sshrl.u32 s12, $0x1;
	s5 =	sadd.s32 s6, s5;
	s9 =	smul.u32 $0x7D00, s7  }
0xb: {  	s7 =	smul.u32 $0xFA0, s7;
	s13 =	ssub.s32 s12, s10;
	s22 =	sadd.s32 s19, s3  }
0xc: {  	s3 =	simm.s32 $0x16B00;
	s10 =	simm.s32 $0x4;
	s5 =	sshrl.u32 s5, $0x3  }
0xd: {  	s12 =	simm.s32 $0x0;
	s20 =	smax.u32 s13, $0x1;
	s0 =	sadd.s32 s5, s0  }
0xe: {  	s14 =	sshrl.u32 s9, $0x3;
	s7 =	sadd.s32 s8, s7;
	[dreg:$0xb] =	wrdreg s20  }
0xf: {  	[dreg:$0x5] =	wrdreg s7;
	s6 =	sadd.s32 s8, s14;
	s0 =	sadd.s32 $0x20400, s0  }
0x10: {  	s5 =	simm.s32 $0x14080;
	s16 =	sadd.s32 $0xF20, s6;
	[dreg:$0xa] =	wrdreg s0  }
0x11: {  	s9 =	simm.s32 $0x14280;
	s17 =	sadd.s32 $0xF40, s6;
	[dreg:$0x6] =	wrdreg s16  }
0x12: {  	s7 =	sshrl.u32 s15, $0x2;
	s18 =	sadd.s32 $0xF60, s6;
	[dreg:$0x7] =	wrdreg s17  }
0x13: {  	s6 =	sadd.s32 $0xF80, s6;
	s11 =	sadd.s32 s7, s2;
	[dreg:$0x8] =	wrdreg s18  }
0x14: {  	s0 =	sshll.u32 s22, $0x5;
	s7 =	simm.s32 $0x19300;
	[dreg:$0x9] =	wrdreg s6  }
0x15: {  	s21 =	sadd.s32 $0x2800, s11;
	s23 =	sadd.s32 $0x5000, s11;
	s24 =	sadd.s32 $0x7800, s11  }
0x16: {  	s25 =	sadd.s32 $0xA000, s11;
	s17 =	sadd.s32 $0xC800, s11;
	[dreg:$0xc] =	wrdreg s21  }
0x17: {  	s0 =	sadd.s32 s0, s8;
	s18 =	sadd.s32 $0xF000, s11;
	[dreg:$0xd] =	wrdreg s23  }
0x18: {  	s19 =	sadd.s32 $0x11800, s11;
	s6 =	simm.s32 $0x14200;
	[dreg:$0xe] =	wrdreg s24  }
0x19: {  	s8 =	simm.s32 $0x14180;
	[dreg:$0xf] =	wrdreg s25;
	s26 =	sadd.s32 $0xC0, s0  }
0x1a: {  	s20 =	sadd.s32 $0xA0, s0;
	s21 =	sadd.s32 $0x80, s0;
	s22 =	sadd.s32 $0x60, s0  }
0x1b: {  	s23 =	sadd.s32 $0x40, s0;
	s24 =	sadd.s32 $0x20, s0;
	s25 =	simm.s32 $0x14300  }
0x1c: {  	v0 =	vimm.f32 $0.0e+00;
	s0 =	simm.s32 $0x2;
	[dreg:$0x4] =	wrdreg s26;
	s26 =	simm.s32 $0x3  }
.LBB2_1:
0x1d: {  	s13 =	simm.s32 $0x0;
	s14 =	simm.s32 $0x200  }
.LBB2_2:
0x1e: {  	p0 =	sne.s32 s14, $0x9E00;
	[tilespmem:s13+$0x14370] =	vst v0  }
0x1f: {  	[tilespmem:s13+$0x14300] =	vst v0  }
0x20: {  	[tilespmem:s13+$0x14310] =	vst v0  }
.Ltmp0:
0x21: {  	[tilespmem:s13+$0x14320] =	vst v0;
	(pc) =	sbr.rel @p0 .LBB2_2-.Ltmp0, $4  }
0x22: {  	[tilespmem:s13+$0x14330] =	vst v0  }
0x23: {  	[tilespmem:s13+$0x14340] =	vst v0  }
0x24: {  	[tilespmem:s13+$0x14350] =	vst v0  }
0x25: {  	[tilespmem:s13+$0x14360] =	vst v0;
	s13 =	sshra.s32 s14, $0x2;
	s14 =	sadd.s32 $0x200, s14  }
0x26: {  	[tilespmem:s13+$0x14370] =	vst v0  }
0x27: {  	[tilespmem:s13+$0x14300] =	vst v0  }
0x28: {  	[tilespmem:s13+$0x14310] =	vst v0  }
0x29: {  	[tilespmem:s13+$0x14320] =	vst v0  }
0x2a: {  	[tilespmem:s13+$0x14330] =	vst v0  }
0x2b: {  	[tilespmem:s13+$0x14340] =	vst v0  }
0x2c: {  	[tilespmem:s13+$0x14350] =	vst v0  }
0x2d: {  	[tilespmem:s13+$0x14360] =	vst v0  }
0x2e: {  	[spmem:s11] =	stream.linear.scatter [tilespmem:s25], [sflag:$0x3], $0x2800, $0x38;
	[tilespmem:$0x1BB00] =	vst v63  }
0x2f: {  	_ =	swait.ge [sflag:s26], $0x2800  }
0x30: {  	[sflag:s26] =	ssyncset.done $0x0  }
0x31: {  	s15 =	rddreg [dreg:$0xc];
	[sflag:s26] =	ssyncadd.s32 $0xFFFFD800  }
0x32: {  	[spmem:s15] =	stream.linear.scatter [tilespmem:s25], [sflag:$0x3], $0x2800, $0x38;
	[tilespmem:$0x1BB00] =	vst v63  }
0x33: {  	_ =	swait.ge [sflag:s26], $0x2800  }
0x34: {  	[sflag:s26] =	ssyncset.done $0x0  }
0x35: {  	s16 =	rddreg [dreg:$0xd];
	[sflag:s26] =	ssyncadd.s32 $0xFFFFD800  }
0x36: {  	[spmem:s16] =	stream.linear.scatter [tilespmem:s25], [sflag:$0x3], $0x2800, $0x38;
	[tilespmem:$0x1BB00] =	vst v63  }
0x37: {  	_ =	swait.ge [sflag:s26], $0x2800  }
0x38: {  	[sflag:s26] =	ssyncset.done $0x0  }
0x39: {  	s14 =	rddreg [dreg:$0xe];
	[sflag:s26] =	ssyncadd.s32 $0xFFFFD800  }
0x3a: {  	[spmem:s14] =	stream.linear.scatter [tilespmem:s25], [sflag:$0x3], $0x2800, $0x38;
	[tilespmem:$0x1BB00] =	vst v63  }
0x3b: {  	_ =	swait.ge [sflag:s26], $0x2800  }
0x3c: {  	[sflag:s26] =	ssyncset.done $0x0  }
0x3d: {  	s15 =	rddreg [dreg:$0xf];
	[sflag:s26] =	ssyncadd.s32 $0xFFFFD800  }
0x3e: {  	[spmem:s15] =	stream.linear.scatter [tilespmem:s25], [sflag:$0x3], $0x2800, $0x38;
	[tilespmem:$0x1BB00] =	vst v63  }
0x3f: {  	_ =	swait.ge [sflag:s26], $0x2800  }
0x40: {  	[sflag:s26] =	ssyncset.done $0x0  }
0x41: {  	[sflag:s26] =	ssyncadd.s32 $0xFFFFD800  }
0x42: {  	[spmem:s17] =	stream.linear.scatter [tilespmem:s25], [sflag:$0x3], $0x2800, $0x38;
	[tilespmem:$0x1BB00] =	vst v63  }
0x43: {  	_ =	swait.ge [sflag:s26], $0x2800  }
0x44: {  	[sflag:s26] =	ssyncset.done $0x0  }
0x45: {  	[sflag:s26] =	ssyncadd.s32 $0xFFFFD800  }
0x46: {  	[spmem:s18] =	stream.linear.scatter [tilespmem:s25], [sflag:$0x3], $0x2800, $0x38;
	[tilespmem:$0x1BB00] =	vst v63  }
0x47: {  	_ =	swait.ge [sflag:s26], $0x2800  }
0x48: {  	[sflag:s26] =	ssyncset.done $0x0  }
0x49: {  	[sflag:s26] =	ssyncadd.s32 $0xFFFFD800  }
0x4a: {  	[spmem:s19] =	stream.linear.scatter [tilespmem:s25], [sflag:$0x3], $0x2800, $0x38;
	[tilespmem:$0x1BB00] =	vst v63  }
0x4b: {  	_ =	swait.ge [sflag:s26], $0x2800  }
0x4c: {  	[sflag:s26] =	ssyncset.done $0x0  }
0x4d: {  	[sflag:s26] =	ssyncadd.s32 $0xFFFFD800  }
0x4e: {  	[bflag:$0x0] =	sbarrier.arrive $0xFFFF  }
0x4f: {  	s16 =	simm.s32 $0x0;
	s14 =	rddreg [dreg:$0x5]  }
0x50: {  	[tilespmem:s28], [sflag:$0x1] =	stream.linear.gather [hbm4b:s14+s16], $0x100, $0x38;
	[tilespmem:$0x1BB00] =	vst v63  }
0x51: {  	_ =	swait.ge [sflag:s29], $0x100  }
0x52: {  	p0 =	por $0x1, $0x1;
	[sflag:s29] =	ssyncset.done $0x0  }
0x53: {  	s13 =	simm.s32 @!p0 $0x3;
	[sflag:s29] =	ssyncadd.s32 $0xFFFFFF00  }
0x54: {  	[tilespmem:s25], [sflag:$0x1] =	stream.indirect.gather [hbm4b:s1+s30], $0x80, s28, s30, $0xb8;
	[tilespmem:$0x1BB00] =	vst v63  }
0x55: {  	_ =	swait.ge @!p0 [sflag:s13], $0x2800  }
0x56: {  	[sflag:s13] =	ssyncset.done @!p0 $0x0  }
0x57: {  	s14 =	sadd.s32 $0x0, s24;
	[sflag:s13] =	ssyncadd.s32 @!p0 $0xFFFFD800  }
0x58: {  	[tilespmem:s31], [sflag:$0x2] =	stream.linear.gather [hbm4b:s14+s4], $0x100, $0x38;
	[tilespmem:$0x1BB00] =	vst v63  }
0x59: {  	_ =	swait.ge [sflag:s0], $0x100  }
0x5a: {  	[sflag:s0] =	ssyncset.done $0x0  }
0x5b: {  	[sflag:s0] =	ssyncadd.s32 $0xFFFFFF00  }
0x5c: {  	[tilespmem:s3], [sflag:$0x2] =	stream.indirect.gather [hbm4b:s1+s30], $0x80, s31, s30, $0xb8;
	[tilespmem:$0x1BB00] =	vst v63  }
0x5d: {  	_ =	swait.ge [sflag:s29], $0x2800  }
0x5e: {  	[sflag:s29] =	ssyncset.done $0x0  }
0x5f: {  	s13 =	simm.s32 @!p0 $0x4;
	[sflag:s29] =	ssyncadd.s32 $0xFFFFD800  }
0x60: {  	[spmem:s2] =	stream.indirect.scatter.add.f32 [tilespmem:s25], [sflag:$0x3], $0x80, s5, s30, $0xb8;
	[tilespmem:$0x1BB00] =	vst v63  }
0x61: {  	_ =	swait.ge @!p0 [sflag:s13], $0x2800  }
0x62: {  	[sflag:s13] =	ssyncset.done @!p0 $0x0  }
0x63: {  	s15 =	sadd.s32 $0x0, s23;
	[sflag:s13] =	ssyncadd.s32 @!p0 $0xFFFFD800  }
0x64: {  	[tilespmem:s6], [sflag:$0x1] =	stream.linear.gather [hbm4b:s15+s4], $0x100, $0x38;
	[tilespmem:$0x1BB00] =	vst v63  }
0x65: {  	_ =	swait.ge [sflag:s29], $0x100  }
0x66: {  	[sflag:s29] =	ssyncset.done $0x0  }
0x67: {  	[sflag:s29] =	ssyncadd.s32 $0xFFFFFF00  }
0x68: {  	[tilespmem:s7], [sflag:$0x1] =	stream.indirect.gather [hbm4b:s1+s30], $0x80, s6, s30, $0xb8;
	[tilespmem:$0x1BB00] =	vst v63  }
0x69: {  	_ =	swait.ge [sflag:s0], $0x2800  }
0x6a: {  	[sflag:s0] =	ssyncset.done $0x0  }
0x6b: {  	[sflag:s0] =	ssyncadd.s32 $0xFFFFD800  }
0x6c: {  	[spmem:s2] =	stream.indirect.scatter.add.f32 [tilespmem:s3], [sflag:$0x4], $0x80, s8, s30, $0xb8;
	[tilespmem:$0x1BB00] =	vst v63  }
0x6d: {  	_ =	swait.ge [sflag:s26], $0x2800  }
0x6e: {  	[sflag:s26] =	ssyncset.done $0x0  }
0x6f: {  	s16 =	sadd.s32 $0x0, s22;
	[sflag:s26] =	ssyncadd.s32 $0xFFFFD800  }
0x70: {  	[tilespmem:s28], [sflag:$0x2] =	stream.linear.gather [hbm4b:s16+s4], $0x100, $0x38;
	[tilespmem:$0x1BB00] =	vst v63  }
0x71: {  	_ =	swait.ge [sflag:s0], $0x100  }
0x72: {  	[sflag:s0] =	ssyncset.done $0x0  }
0x73: {  	[sflag:s0] =	ssyncadd.s32 $0xFFFFFF00  }
0x74: {  	[tilespmem:s25], [sflag:$0x2] =	stream.indirect.gather [hbm4b:s1+s30], $0x80, s28, s30, $0xb8;
	[tilespmem:$0x1BB00] =	vst v63  }
0x75: {  	_ =	swait.ge [sflag:s29], $0x2800  }
0x76: {  	[sflag:s29] =	ssyncset.done $0x0  }
0x77: {  	[sflag:s29] =	ssyncadd.s32 $0xFFFFD800  }
0x78: {  	[spmem:s2] =	stream.indirect.scatter.add.f32 [tilespmem:s7], [sflag:$0x3], $0x80, s9, s30, $0xb8;
	[tilespmem:$0x1BB00] =	vst v63  }
0x79: {  	_ =	swait.ge [sflag:s10], $0x2800  }
0x7a: {  	[sflag:s10] =	ssyncset.done $0x0  }
0x7b: {  	s14 =	sadd.s32 $0x0, s21;
	[sflag:s10] =	ssyncadd.s32 $0xFFFFD800  }
0x7c: {  	[tilespmem:s31], [sflag:$0x1] =	stream.linear.gather [hbm4b:s14+s4], $0x100, $0x38;
	[tilespmem:$0x1BB00] =	vst v63  }
0x7d: {  	_ =	swait.ge [sflag:s29], $0x100  }
0x7e: {  	[sflag:s29] =	ssyncset.done $0x0  }
0x7f: {  	[sflag:s29] =	ssyncadd.s32 $0xFFFFFF00  }
0x80: {  	[tilespmem:s3], [sflag:$0x1] =	stream.indirect.gather [hbm4b:s1+s30], $0x80, s31, s30, $0xb8;
	[tilespmem:$0x1BB00] =	vst v63  }
0x81: {  	_ =	swait.ge [sflag:s0], $0x2800  }
0x82: {  	[sflag:s0] =	ssyncset.done $0x0  }
0x83: {  	[sflag:s0] =	ssyncadd.s32 $0xFFFFD800  }
0x84: {  	[spmem:s2] =	stream.indirect.scatter.add.f32 [tilespmem:s25], [sflag:$0x4], $0x80, s5, s30, $0xb8;
	[tilespmem:$0x1BB00] =	vst v63  }
0x85: {  	_ =	swait.ge [sflag:s26], $0x2800  }
0x86: {  	[sflag:s26] =	ssyncset.done $0x0  }
0x87: {  	s15 =	sadd.s32 $0x0, s20;
	[sflag:s26] =	ssyncadd.s32 $0xFFFFD800  }
0x88: {  	[tilespmem:s6], [sflag:$0x2] =	stream.linear.gather [hbm4b:s15+s4], $0x100, $0x38;
	[tilespmem:$0x1BB00] =	vst v63  }
0x89: {  	_ =	swait.ge [sflag:s0], $0x100  }
0x8a: {  	[sflag:s0] =	ssyncset.done $0x0  }
0x8b: {  	[sflag:s0] =	ssyncadd.s32 $0xFFFFFF00  }
0x8c: {  	[tilespmem:s7], [sflag:$0x2] =	stream.indirect.gather [hbm4b:s1+s30], $0x80, s6, s30, $0xb8;
	[tilespmem:$0x1BB00] =	vst v63  }
0x8d: {  	_ =	swait.ge [sflag:s29], $0x2800  }
0x8e: {  	[sflag:s29] =	ssyncset.done $0x0  }
0x8f: {  	[sflag:s29] =	ssyncadd.s32 $0xFFFFD800  }
0x90: {  	[spmem:s2] =	stream.indirect.scatter.add.f32 [tilespmem:s3], [sflag:$0x3], $0x80, s8, s30, $0xb8;
	[tilespmem:$0x1BB00] =	vst v63  }
0x91: {  	_ =	swait.ge [sflag:s10], $0x2800  }
0x92: {  	s16 =	rddreg [dreg:$0x4];
	[sflag:s10] =	ssyncset.done $0x0  }
0x93: {  	[sflag:s10] =	ssyncadd.s32 $0xFFFFD800;
	s13 =	sadd.s32 $0x0, s16  }
0x94: {  	[tilespmem:s28], [sflag:$0x1] =	stream.linear.gather [hbm4b:s13+s4], $0x100, $0x38;
	[tilespmem:$0x1BB00] =	vst v63  }
0x95: {  	_ =	swait.ge [sflag:s29], $0x100  }
0x96: {  	[sflag:s29] =	ssyncset.done $0x0  }
0x97: {  	[sflag:s29] =	ssyncadd.s32 $0xFFFFFF00  }
0x98: {  	[tilespmem:s25], [sflag:$0x1] =	stream.indirect.gather [hbm4b:s1+s30], $0x80, s28, s30, $0xb8;
	[tilespmem:$0x1BB00] =	vst v63  }
0x99: {  	p1 =	por $0x0, $0x0;
	_ =	swait.ge [sflag:s0], $0x2800  }
0x9a: {  	s14 =	simm.s32 $0x180;
	s13 =	simm.s32 $0xC0;
	[sflag:s0] =	ssyncset.done $0x0  }
.LBB2_4:
0x9b: {  	s16 =	simm.s32 @!p1 $0x3;
	[sflag:s0] =	ssyncadd.s32 $0xFFFFD800  }
0x9c: {  	[spmem:s2] =	stream.indirect.scatter.add.f32 [tilespmem:s7], [sflag:$0x4], $0x80, s9, s30, $0xb8;
	[tilespmem:$0x1BB00] =	vst v63  }
0x9d: {  	_ =	swait.ge @!p1 [sflag:s16], $0x2800  }
0x9e: {  	[sflag:s16] =	ssyncset.done @!p1 $0x0  }
0x9f: {  	[sflag:s16] =	ssyncadd.s32 @!p1 $0xFFFFD800;
	s16 =	sadd.s32 s13, s24  }
0xa0: {  	[tilespmem:s31], [sflag:$0x2] =	stream.linear.gather [hbm4b:s16+s4], $0x100, $0x38;
	[tilespmem:$0x1BB00] =	vst v63  }
0xa1: {  	_ =	swait.ge [sflag:s0], $0x100  }
0xa2: {  	[sflag:s0] =	ssyncset.done $0x0  }
0xa3: {  	[sflag:s0] =	ssyncadd.s32 $0xFFFFFF00  }
0xa4: {  	[tilespmem:s3], [sflag:$0x2] =	stream.indirect.gather [hbm4b:s1+s30], $0x80, s31, s30, $0xb8;
	[tilespmem:$0x1BB00] =	vst v63  }
0xa5: {  	_ =	swait.ge [sflag:s29], $0x2800  }
0xa6: {  	[sflag:s29] =	ssyncset.done $0x0  }
0xa7: {  	s16 =	simm.s32 @!p1 $0x4;
	[sflag:s29] =	ssyncadd.s32 $0xFFFFD800  }
0xa8: {  	[spmem:s2] =	stream.indirect.scatter.add.f32 [tilespmem:s25], [sflag:$0x3], $0x80, s5, s30, $0xb8;
	[tilespmem:$0x1BB00] =	vst v63  }
0xa9: {  	_ =	swait.ge @!p1 [sflag:s16], $0x2800  }
0xaa: {  	[sflag:s16] =	ssyncset.done @!p1 $0x0  }
0xab: {  	[sflag:s16] =	ssyncadd.s32 @!p1 $0xFFFFD800;
	s16 =	sadd.s32 s13, s23  }
0xac: {  	[tilespmem:s6], [sflag:$0x1] =	stream.linear.gather [hbm4b:s16+s4], $0x100, $0x38;
	[tilespmem:$0x1BB00] =	vst v63  }
0xad: {  	_ =	swait.ge [sflag:s29], $0x100  }
0xae: {  	[sflag:s29] =	ssyncset.done $0x0  }
0xaf: {  	[sflag:s29] =	ssyncadd.s32 $0xFFFFFF00  }
0xb0: {  	[tilespmem:s7], [sflag:$0x1] =	stream.indirect.gather [hbm4b:s1+s30], $0x80, s6, s30, $0xb8;
	[tilespmem:$0x1BB00] =	vst v63  }
0xb1: {  	_ =	swait.ge [sflag:s0], $0x2800  }
0xb2: {  	[sflag:s0] =	ssyncset.done $0x0  }
0xb3: {  	[sflag:s0] =	ssyncadd.s32 $0xFFFFD800  }
0xb4: {  	[spmem:s2] =	stream.indirect.scatter.add.f32 [tilespmem:s3], [sflag:$0x4], $0x80, s8, s30, $0xb8;
	[tilespmem:$0x1BB00] =	vst v63  }
0xb5: {  	_ =	swait.ge [sflag:s26], $0x2800  }
0xb6: {  	[sflag:s26] =	ssyncset.done $0x0  }
0xb7: {  	s16 =	sadd.s32 s13, s22;
	[sflag:s26] =	ssyncadd.s32 $0xFFFFD800  }
0xb8: {  	[tilespmem:s28], [sflag:$0x2] =	stream.linear.gather [hbm4b:s16+s4], $0x100, $0x38;
	[tilespmem:$0x1BB00] =	vst v63  }
0xb9: {  	_ =	swait.ge [sflag:s0], $0x100  }
0xba: {  	[sflag:s0] =	ssyncset.done $0x0  }
0xbb: {  	[sflag:s0] =	ssyncadd.s32 $0xFFFFFF00  }
0xbc: {  	[tilespmem:s25], [sflag:$0x2] =	stream.indirect.gather [hbm4b:s1+s30], $0x80, s28, s30, $0xb8;
	[tilespmem:$0x1BB00] =	vst v63  }
0xbd: {  	_ =	swait.ge [sflag:s29], $0x2800  }
0xbe: {  	[sflag:s29] =	ssyncset.done $0x0  }
0xbf: {  	[sflag:s29] =	ssyncadd.s32 $0xFFFFD800  }
0xc0: {  	[spmem:s2] =	stream.indirect.scatter.add.f32 [tilespmem:s7], [sflag:$0x3], $0x80, s9, s30, $0xb8;
	[tilespmem:$0x1BB00] =	vst v63  }
0xc1: {  	_ =	swait.ge [sflag:s10], $0x2800  }
0xc2: {  	[sflag:s10] =	ssyncset.done $0x0  }
0xc3: {  	s16 =	sadd.s32 s13, s21;
	[sflag:s10] =	ssyncadd.s32 $0xFFFFD800  }
0xc4: {  	[tilespmem:s31], [sflag:$0x1] =	stream.linear.gather [hbm4b:s16+s4], $0x100, $0x38;
	[tilespmem:$0x1BB00] =	vst v63  }
0xc5: {  	_ =	swait.ge [sflag:s29], $0x100  }
0xc6: {  	[sflag:s29] =	ssyncset.done $0x0  }
0xc7: {  	[sflag:s29] =	ssyncadd.s32 $0xFFFFFF00  }
0xc8: {  	[tilespmem:s3], [sflag:$0x1] =	stream.indirect.gather [hbm4b:s1+s30], $0x80, s31, s30, $0xb8;
	[tilespmem:$0x1BB00] =	vst v63  }
0xc9: {  	_ =	swait.ge [sflag:s0], $0x2800  }
0xca: {  	[sflag:s0] =	ssyncset.done $0x0  }
0xcb: {  	[sflag:s0] =	ssyncadd.s32 $0xFFFFD800  }
0xcc: {  	[spmem:s2] =	stream.indirect.scatter.add.f32 [tilespmem:s25], [sflag:$0x4], $0x80, s5, s30, $0xb8;
	[tilespmem:$0x1BB00] =	vst v63  }
0xcd: {  	_ =	swait.ge [sflag:s26], $0x2800  }
0xce: {  	[sflag:s26] =	ssyncset.done $0x0  }
0xcf: {  	s16 =	sadd.s32 s13, s20;
	[sflag:s26] =	ssyncadd.s32 $0xFFFFD800  }
0xd0: {  	[tilespmem:s6], [sflag:$0x2] =	stream.linear.gather [hbm4b:s16+s4], $0x100, $0x38;
	[tilespmem:$0x1BB00] =	vst v63  }
0xd1: {  	_ =	swait.ge [sflag:s0], $0x100  }
0xd2: {  	[sflag:s0] =	ssyncset.done $0x0  }
0xd3: {  	[sflag:s0] =	ssyncadd.s32 $0xFFFFFF00  }
0xd4: {  	[tilespmem:s7], [sflag:$0x2] =	stream.indirect.gather [hbm4b:s1+s30], $0x80, s6, s30, $0xb8;
	[tilespmem:$0x1BB00] =	vst v63  }
0xd5: {  	_ =	swait.ge [sflag:s29], $0x2800  }
0xd6: {  	[sflag:s29] =	ssyncset.done $0x0  }
0xd7: {  	[sflag:s29] =	ssyncadd.s32 $0xFFFFD800  }
0xd8: {  	[spmem:s2] =	stream.indirect.scatter.add.f32 [tilespmem:s3], [sflag:$0x3], $0x80, s8, s30, $0xb8;
	[tilespmem:$0x1BB00] =	vst v63  }
0xd9: {  	_ =	swait.ge [sflag:s10], $0x2800  }
0xda: {  	s15 =	smov.u32 s14;
	s16 =	rddreg [dreg:$0x4];
	[sflag:s10] =	ssyncset.done $0x0  }
0xdb: {  	s14 =	sadd.s32 $0xC0, s14;
	[sflag:s10] =	ssyncadd.s32 $0xFFFFD800;
	s16 =	sadd.s32 s13, s16  }
0xdc: {  	[tilespmem:s28], [sflag:$0x1] =	stream.linear.gather [hbm4b:s16+s4], $0x100, $0x38;
	[tilespmem:$0x1BB00] =	vst v63  }
0xdd: {  	p0 =	sne.s32 s14, $0xF00;
	_ =	swait.ge [sflag:s29], $0x100  }
.Ltmp1:
0xde: {  	[sflag:s29] =	ssyncset.done $0x0;
	(pc) =	sbr.rel @p0 .LBB2_4-.Ltmp1, $4  }
0xdf: {  	[sflag:s29] =	ssyncadd.s32 $0xFFFFFF00  }
0xe0: {  	[tilespmem:s25], [sflag:$0x1] =	stream.indirect.gather [hbm4b:s1+s30], $0x80, s28, s30, $0xb8;
	[tilespmem:$0x1BB00] =	vst v63  }
0xe1: {  	s13 =	smov.u32 s15;
	_ =	swait.ge [sflag:s0], $0x2800  }
0xe2: {  	p1 =	seq.s32 s13, $0x0;
	[sflag:s0] =	ssyncset.done $0x0  }
0xe3: {  	s14 =	simm.s32 @!p1 $0x3;
	[sflag:s0] =	ssyncadd.s32 $0xFFFFD800  }
0xe4: {  	[spmem:s2] =	stream.indirect.scatter.add.f32 [tilespmem:s7], [sflag:$0x4], $0x80, s9, s30, $0xb8;
	[tilespmem:$0x1BB00] =	vst v63  }
0xe5: {  	_ =	swait.ge @!p1 [sflag:s14], $0x2800  }
0xe6: {  	[sflag:s14] =	ssyncset.done @!p1 $0x0  }
0xe7: {  	s16 =	sadd.s32 s13, s24;
	[sflag:s14] =	ssyncadd.s32 @!p1 $0xFFFFD800  }
0xe8: {  	[tilespmem:s31], [sflag:$0x2] =	stream.linear.gather [hbm4b:s16+s4], $0x100, $0x38;
	[tilespmem:$0x1BB00] =	vst v63  }
0xe9: {  	_ =	swait.ge [sflag:s0], $0x100  }
0xea: {  	[sflag:s0] =	ssyncset.done $0x0  }
0xeb: {  	[sflag:s0] =	ssyncadd.s32 $0xFFFFFF00  }
0xec: {  	[tilespmem:s3], [sflag:$0x2] =	stream.indirect.gather [hbm4b:s1+s30], $0x80, s31, s30, $0xb8;
	[tilespmem:$0x1BB00] =	vst v63  }
0xed: {  	_ =	swait.ge [sflag:s29], $0x2800  }
0xee: {  	[sflag:s29] =	ssyncset.done $0x0  }
0xef: {  	s14 =	simm.s32 @!p1 $0x4;
	[sflag:s29] =	ssyncadd.s32 $0xFFFFD800  }
0xf0: {  	[spmem:s2] =	stream.indirect.scatter.add.f32 [tilespmem:s25], [sflag:$0x3], $0x80, s5, s30, $0xb8;
	[tilespmem:$0x1BB00] =	vst v63  }
0xf1: {  	_ =	swait.ge @!p1 [sflag:s14], $0x2800  }
0xf2: {  	[sflag:s14] =	ssyncset.done @!p1 $0x0  }
0xf3: {  	s15 =	sadd.s32 s13, s23;
	[sflag:s14] =	ssyncadd.s32 @!p1 $0xFFFFD800  }
0xf4: {  	[tilespmem:s6], [sflag:$0x1] =	stream.linear.gather [hbm4b:s15+s4], $0x100, $0x38;
	[tilespmem:$0x1BB00] =	vst v63  }
0xf5: {  	_ =	swait.ge [sflag:s29], $0x100  }
0xf6: {  	[sflag:s29] =	ssyncset.done $0x0  }
0xf7: {  	[sflag:s29] =	ssyncadd.s32 $0xFFFFFF00  }
0xf8: {  	[tilespmem:s7], [sflag:$0x1] =	stream.indirect.gather [hbm4b:s1+s30], $0x80, s6, s30, $0xb8;
	[tilespmem:$0x1BB00] =	vst v63  }
0xf9: {  	_ =	swait.ge [sflag:s0], $0x2800  }
0xfa: {  	[sflag:s0] =	ssyncset.done $0x0  }
0xfb: {  	[sflag:s0] =	ssyncadd.s32 $0xFFFFD800  }
0xfc: {  	[spmem:s2] =	stream.indirect.scatter.add.f32 [tilespmem:s3], [sflag:$0x4], $0x80, s8, s30, $0xb8;
	[tilespmem:$0x1BB00] =	vst v63  }
0xfd: {  	_ =	swait.ge [sflag:s26], $0x2800  }
0xfe: {  	[sflag:s26] =	ssyncset.done $0x0  }
0xff: {  	s16 =	sadd.s32 s13, s22;
	[sflag:s26] =	ssyncadd.s32 $0xFFFFD800  }
0x100: {  	[tilespmem:s28], [sflag:$0x2] =	stream.linear.gather [hbm4b:s16+s4], $0x100, $0x38;
	[tilespmem:$0x1BB00] =	vst v63  }
0x101: {  	_ =	swait.ge [sflag:s0], $0x100  }
0x102: {  	[sflag:s0] =	ssyncset.done $0x0  }
0x103: {  	[sflag:s0] =	ssyncadd.s32 $0xFFFFFF00  }
0x104: {  	[tilespmem:s25], [sflag:$0x2] =	stream.indirect.gather [hbm4b:s1+s30], $0x80, s28, s30, $0xb8;
	[tilespmem:$0x1BB00] =	vst v63  }
0x105: {  	_ =	swait.ge [sflag:s29], $0x2800  }
0x106: {  	[sflag:s29] =	ssyncset.done $0x0  }
0x107: {  	[sflag:s29] =	ssyncadd.s32 $0xFFFFD800  }
0x108: {  	[spmem:s2] =	stream.indirect.scatter.add.f32 [tilespmem:s7], [sflag:$0x3], $0x80, s9, s30, $0xb8;
	[tilespmem:$0x1BB00] =	vst v63  }
0x109: {  	_ =	swait.ge [sflag:s10], $0x2800  }
0x10a: {  	[sflag:s10] =	ssyncset.done $0x0  }
0x10b: {  	s15 =	sadd.s32 s13, s21;
	[sflag:s10] =	ssyncadd.s32 $0xFFFFD800  }
0x10c: {  	[tilespmem:s31], [sflag:$0x1] =	stream.linear.gather [hbm4b:s15+s4], $0x100, $0x38;
	[tilespmem:$0x1BB00] =	vst v63  }
0x10d: {  	_ =	swait.ge [sflag:s29], $0x100  }
0x10e: {  	[sflag:s29] =	ssyncset.done $0x0  }
0x10f: {  	[sflag:s29] =	ssyncadd.s32 $0xFFFFFF00  }
0x110: {  	[tilespmem:s3], [sflag:$0x1] =	stream.indirect.gather [hbm4b:s1+s30], $0x80, s31, s30, $0xb8;
	[tilespmem:$0x1BB00] =	vst v63  }
0x111: {  	_ =	swait.ge [sflag:s0], $0x2800  }
0x112: {  	[sflag:s0] =	ssyncset.done $0x0  }
0x113: {  	[sflag:s0] =	ssyncadd.s32 $0xFFFFD800  }
0x114: {  	[spmem:s2] =	stream.indirect.scatter.add.f32 [tilespmem:s25], [sflag:$0x4], $0x80, s5, s30, $0xb8;
	[tilespmem:$0x1BB00] =	vst v63  }
0x115: {  	_ =	swait.ge [sflag:s26], $0x2800  }
0x116: {  	[sflag:s26] =	ssyncset.done $0x0  }
0x117: {  	s16 =	sadd.s32 s13, s20;
	[sflag:s26] =	ssyncadd.s32 $0xFFFFD800  }
0x118: {  	[tilespmem:s6], [sflag:$0x2] =	stream.linear.gather [hbm4b:s16+s4], $0x100, $0x38;
	[tilespmem:$0x1BB00] =	vst v63  }
0x119: {  	_ =	swait.ge [sflag:s0], $0x100  }
0x11a: {  	[sflag:s0] =	ssyncset.done $0x0  }
0x11b: {  	[sflag:s0] =	ssyncadd.s32 $0xFFFFFF00  }
0x11c: {  	[tilespmem:s7], [sflag:$0x2] =	stream.indirect.gather [hbm4b:s1+s30], $0x80, s6, s30, $0xb8;
	[tilespmem:$0x1BB00] =	vst v63  }
0x11d: {  	_ =	swait.ge [sflag:s29], $0x2800  }
0x11e: {  	[sflag:s29] =	ssyncset.done $0x0  }
0x11f: {  	[sflag:s29] =	ssyncadd.s32 $0xFFFFD800  }
0x120: {  	[spmem:s2] =	stream.indirect.scatter.add.f32 [tilespmem:s3], [sflag:$0x3], $0x80, s8, s30, $0xb8;
	[tilespmem:$0x1BB00] =	vst v63  }
0x121: {  	_ =	swait.ge [sflag:s10], $0x2800  }
0x122: {  	s15 =	rddreg [dreg:$0x4];
	[sflag:s10] =	ssyncset.done $0x0  }
0x123: {  	[sflag:s10] =	ssyncadd.s32 $0xFFFFD800;
	s16 =	sadd.s32 s13, s15  }
0x124: {  	[tilespmem:s28], [sflag:$0x1] =	stream.linear.gather [hbm4b:s16+s4], $0x100, $0x38;
	[tilespmem:$0x1BB00] =	vst v63  }
0x125: {  	_ =	swait.ge [sflag:s29], $0x100  }
0x126: {  	[sflag:s29] =	ssyncset.done $0x0  }
0x127: {  	[sflag:s29] =	ssyncadd.s32 $0xFFFFFF00  }
0x128: {  	[tilespmem:s25], [sflag:$0x1] =	stream.indirect.gather [hbm4b:s1+s30], $0x80, s28, s30, $0xb8;
	[tilespmem:$0x1BB00] =	vst v63  }
0x129: {  	_ =	swait.ge [sflag:s0], $0x2800  }
0x12a: {  	[sflag:s0] =	ssyncset.done $0x0  }
0x12b: {  	[sflag:s0] =	ssyncadd.s32 $0xFFFFD800  }
0x12c: {  	[spmem:s2] =	stream.indirect.scatter.add.f32 [tilespmem:s7], [sflag:$0x4], $0x80, s9, s30, $0xb8;
	[tilespmem:$0x1BB00] =	vst v63  }
0x12d: {  	_ =	swait.ge [sflag:s26], $0x2800  }
0x12e: {  	[sflag:s26] =	ssyncset.done $0x0  }
0x12f: {  	s14 =	rddreg [dreg:$0x6];
	[sflag:s26] =	ssyncadd.s32 $0xFFFFD800  }
0x130: {  	[tilespmem:s31], [sflag:$0x2] =	stream.linear.gather [hbm4b:s14+s4], $0x100, $0x38;
	[tilespmem:$0x1BB00] =	vst v63  }
0x131: {  	_ =	swait.ge [sflag:s0], $0x100  }
0x132: {  	[sflag:s0] =	ssyncset.done $0x0  }
0x133: {  	[sflag:s0] =	ssyncadd.s32 $0xFFFFFF00  }
0x134: {  	[tilespmem:s3], [sflag:$0x2] =	stream.indirect.gather [hbm4b:s1+s30], $0x80, s31, s30, $0xb8;
	[tilespmem:$0x1BB00] =	vst v63  }
0x135: {  	_ =	swait.ge [sflag:s29], $0x2800  }
0x136: {  	[sflag:s29] =	ssyncset.done $0x0  }
0x137: {  	[sflag:s29] =	ssyncadd.s32 $0xFFFFD800  }
0x138: {  	[spmem:s2] =	stream.indirect.scatter.add.f32 [tilespmem:s25], [sflag:$0x3], $0x80, s5, s30, $0xb8;
	[tilespmem:$0x1BB00] =	vst v63  }
0x139: {  	_ =	swait.ge [sflag:s10], $0x2800  }
0x13a: {  	[sflag:s10] =	ssyncset.done $0x0  }
0x13b: {  	s15 =	rddreg [dreg:$0x7];
	[sflag:s10] =	ssyncadd.s32 $0xFFFFD800  }
0x13c: {  	[tilespmem:s6], [sflag:$0x1] =	stream.linear.gather [hbm4b:s15+s4], $0x100, $0x38;
	[tilespmem:$0x1BB00] =	vst v63  }
0x13d: {  	_ =	swait.ge [sflag:s29], $0x100  }
0x13e: {  	[sflag:s29] =	ssyncset.done $0x0  }
0x13f: {  	[sflag:s29] =	ssyncadd.s32 $0xFFFFFF00  }
0x140: {  	[tilespmem:s7], [sflag:$0x1] =	stream.indirect.gather [hbm4b:s1+s30], $0x80, s6, s30, $0xb8;
	[tilespmem:$0x1BB00] =	vst v63  }
0x141: {  	_ =	swait.ge [sflag:s0], $0x2800  }
0x142: {  	[sflag:s0] =	ssyncset.done $0x0  }
0x143: {  	[sflag:s0] =	ssyncadd.s32 $0xFFFFD800  }
0x144: {  	[spmem:s2] =	stream.indirect.scatter.add.f32 [tilespmem:s3], [sflag:$0x4], $0x80, s8, s30, $0xb8;
	[tilespmem:$0x1BB00] =	vst v63  }
0x145: {  	_ =	swait.ge [sflag:s26], $0x2800  }
0x146: {  	[sflag:s26] =	ssyncset.done $0x0  }
0x147: {  	s16 =	rddreg [dreg:$0x8];
	[sflag:s26] =	ssyncadd.s32 $0xFFFFD800  }
0x148: {  	[tilespmem:s28], [sflag:$0x2] =	stream.linear.gather [hbm4b:s16+s4], $0x100, $0x38;
	[tilespmem:$0x1BB00] =	vst v63  }
0x149: {  	_ =	swait.ge [sflag:s0], $0x100  }
0x14a: {  	[sflag:s0] =	ssyncset.done $0x0  }
0x14b: {  	[sflag:s0] =	ssyncadd.s32 $0xFFFFFF00  }
0x14c: {  	[tilespmem:s25], [sflag:$0x2] =	stream.indirect.gather [hbm4b:s1+s30], $0x80, s28, s30, $0xb8;
	[tilespmem:$0x1BB00] =	vst v63  }
0x14d: {  	_ =	swait.ge [sflag:s29], $0x2800  }
0x14e: {  	[sflag:s29] =	ssyncset.done $0x0  }
0x14f: {  	[sflag:s29] =	ssyncadd.s32 $0xFFFFD800  }
0x150: {  	[spmem:s2] =	stream.indirect.scatter.add.f32 [tilespmem:s7], [sflag:$0x3], $0x80, s9, s30, $0xb8;
	[tilespmem:$0x1BB00] =	vst v63  }
0x151: {  	_ =	swait.ge [sflag:s10], $0x2800  }
0x152: {  	[sflag:s10] =	ssyncset.done $0x0  }
0x153: {  	s14 =	rddreg [dreg:$0x9];
	[sflag:s10] =	ssyncadd.s32 $0xFFFFD800  }
0x154: {  	[tilespmem:s31], [sflag:$0x1] =	stream.linear.gather [hbm4b:s14+s4], $0x100, $0x38;
	[tilespmem:$0x1BB00] =	vst v63  }
0x155: {  	_ =	swait.ge [sflag:s29], $0x100  }
0x156: {  	[sflag:s29] =	ssyncset.done $0x0  }
0x157: {  	[sflag:s29] =	ssyncadd.s32 $0xFFFFFF00  }
0x158: {  	[tilespmem:s3], [sflag:$0x1] =	stream.indirect.gather [hbm4b:s1+s30], $0x80, s31, s30, $0xb8;
	[tilespmem:$0x1BB00] =	vst v63  }
0x159: {  	_ =	swait.ge [sflag:s0], $0x2800  }
0x15a: {  	[sflag:s0] =	ssyncset.done $0x0  }
0x15b: {  	[sflag:s0] =	ssyncadd.s32 $0xFFFFD800  }
0x15c: {  	[spmem:s2] =	stream.indirect.scatter.add.f32 [tilespmem:s25], [sflag:$0x4], $0x80, s5, s30, $0xb8;
	[tilespmem:$0x1BB00] =	vst v63  }
0x15d: {  	_ =	swait.ge [sflag:s29], $0x2800  }
0x15e: {  	[sflag:s29] =	ssyncset.done $0x0  }
0x15f: {  	[sflag:s29] =	ssyncadd.s32 $0xFFFFD800  }
0x160: {  	[spmem:s2] =	stream.indirect.scatter.add.f32 [tilespmem:s3], [sflag:$0x3], $0x80, s8, s30, $0xb8;
	[tilespmem:$0x1BB00] =	vst v63  }
0x161: {  	_ =	swait.ge [sflag:s26], $0x2800  }
0x162: {  	[sflag:s26] =	ssyncset.done $0x0  }
0x163: {  	[sflag:s26] =	ssyncadd.s32 $0xFFFFD800  }
0x164: {  	_ =	swait.ge [sflag:s10], $0x2800  }
0x165: {  	[sflag:s10] =	ssyncset.done $0x0  }
0x166: {  	[sflag:s10] =	ssyncadd.s32 $0xFFFFD800  }
0x167: {  	_ =	swait.ge [sflag:s26], $0x2800  }
0x168: {  	[sflag:s26] =	ssyncset.done $0x0  }
0x169: {  	s15 =	stileid.u32;
	[sflag:s26] =	ssyncadd.s32 $0xFFFFD800  }
0x16a: {  	s13 =	sshll.u32 s15, $0x6;
	[bflag:$0x0] =	sbarrier.arrive $0xFFFF  }
0x16b: {  	s13 =	sor.u32 $0x1C03, s13;
	s16 =	sshrl.u32 s11, $0x3;
	s15 =	rddreg [dreg:$0xa]  }
0x16c: {  	[hbm:s15], [sflag:s13] =	dma.local [spmem:s16], $0x2800  }
0x16d: {  	_ =	swait.ge [sflag:s26], $0x2800  }
0x16e: {  	s12 =	sadd.s32 $0x1, s12;
	s16 =	rddreg [dreg:$0xb]  }
0x16f: {  	p0 =	sne.s32 s12, s16  }
.Ltmp2:
0x170: {  	_ = 	snop;
	(pc) =	sbr.rel @p0 .LBB2_1-.Ltmp2, $3  }
0x171: {  	_ =	sdelay $0x1  }
0x172: {  	[sflag:s26] =	ssyncset.done $0x0  }
0x173: {  	[sflag:s26] =	ssyncadd.s32 $0xFFFFD800  }
0x174: {  	_ =	sfence.sel $0x180000  }
0x175: {  	[bflag:$0x0] =	sbarrier.arrive $0xFFFF  }
0x176: {  	_ =	strace $0x90000047  }
0x177: {  	s0 =	stileid.u32;
	[bflag:$0x2] =	sbarrier.arrive $0xFFFF  }
0x178: {  	p0 =	sne.s32 s0, $0x0;
	s0 =	rddreg [dreg:$0x3]  }
0x179: {  	s0 =	sadd.s32 @!p0 $0x100000, s0  }
0x17a: {  	[sflag:s0] =	ssyncadd.tile.s32 @!p0 $0x1;
	_ =	shalt  }
.Lfunc_end2:
_tile_overlayer_lowered:
.L_overlay_start_2:
0x17b: {  	(tag) =	ssettag $0x2  }
0x17c: {  	s0 =	rddreg [dreg:$0x0];
	s2 =	stileid.u32  }
0x17d: {  	s1 =	rddreg [dreg:$0x1];
	p0 =	sne.s32 s2, $0x0  }
0x17e: {  	s3 =	rddreg [dreg:$0x2];
	[bflag:$0x3] =	sbarrier.arrive $0xFFFF;
	s2 =	simm.s32 @!p0 $0x1C05  }
0x17f: {  	[timem:s3], [sflag:s2] =	dma.local @!p0 [hbm:s0], s1  }
0x180: {  	s0 =	simm.s32 @!p0 $0x5  }
0x181: {  	_ =	swait.ge @!p0 [sflag:s0], s1  }
0x182: {  	s1 =	ssub.s32 @!p0 $0x0, s1;
	[sflag:s0] =	ssyncset.done @!p0 $0x0  }
0x183: {  	[sflag:s0] =	ssyncadd.s32 @!p0 s1  }
0x184: {  	[bflag:$0x3] =	sbarrier.arrive $0xFFFF  }
0x185: {  	_ =	shalt  }

</sc_bundles>
